<compile_context>
chip_gen: v7x
topology: tpu7x:2x2x1
jax: 0.10.2.dev20260603
libtpu: 0.0.44.dev20260713+nightly
codegen_flags: <defaults>
</compile_context>

<pallas_src>
import functools

import jax
import jax.numpy as jnp
from jax import lax
from jax.experimental import pallas as pl
from jax.experimental.pallas import tpu as pltpu
from jax.experimental.pallas import tpu_sc as plsc

D_ITEM = 64
D_USER = 64
HIDDEN = 128
T = 200
B = 1024
K = 10
ITERS = 10

NW = 32
ROWS_W = (B * T) // NW
GCH = 128
NCH_G = 10
NSUP = ROWS_W // (GCH * NCH_G)
U_W = B // NW


def _sc_gather_body(seq_hbm, uid_hbm, item_hbm, user_hbm, s_out, u_out,
                    idx_v, rows_v, uidx_v, urows_v, sem):
    wid = lax.axis_index("s") * 2 + lax.axis_index("c")
    pltpu.sync_copy(uid_hbm.at[pl.ds(wid * U_W, U_W)], uidx_v)
    pltpu.async_copy(user_hbm.at[uidx_v], urows_v, sem).wait()
    pltpu.sync_copy(urows_v, u_out.at[pl.ds(wid * U_W, U_W)])
    pltpu.sync_copy(seq_hbm.at[wid], idx_v)

    def sup(s, _):
        for j in range(NCH_G):
            pltpu.async_copy(item_hbm.at[idx_v.at[s * NCH_G + j]],
                             rows_v.at[j], sem).wait()
        pltpu.sync_copy(
            rows_v,
            s_out.at[pl.ds(wid * (ROWS_W // GCH) + s * NCH_G, NCH_G)])
        return ()

    lax.fori_loop(0, NSUP, sup, (), unroll=False)


@jax.jit
def _sc_gather(seq3d, user_ids, item_table, user_table):
    mesh = plsc.VectorSubcoreMesh(core_axis_name="c", subcore_axis_name="s")
    f = pl.kernel(
        _sc_gather_body,
        mesh=mesh,
        out_type=[
            jax.ShapeDtypeStruct((B * T // GCH, GCH, D_ITEM), jnp.float32),
            jax.ShapeDtypeStruct((B, D_USER), jnp.float32),
        ],
        scratch_types=[
            pltpu.VMEM((ROWS_W // GCH, GCH), jnp.int32),
            pltpu.VMEM((NCH_G, GCH, D_ITEM), jnp.float32),
            pltpu.VMEM((U_W,), jnp.int32),
            pltpu.VMEM((U_W, D_USER), jnp.float32),
            pltpu.SemaphoreType.DMA,
        ],
        compiler_params=pltpu.CompilerParams(use_tc_tiling_on_sc=False),
    )
    return f(seq3d, user_ids, item_table, user_table)


BB = 8
KP = 16
GK = BB * KP
N = BB * T
PADC = 1e15
_DOT = dict(preferred_element_type=jnp.float32,
            precision=jax.lax.Precision.HIGHEST)


def _kmeans_body(s_ref, u_ref, pos_ref, h_ref, ids_ref, cen_ref):
    s = s_ref[...]
    u = u_ref[...]
    pos = pos_ref[...]
    ub = jnp.broadcast_to(u[:, None, :], (BB, T, D_USER))
    h = jnp.concatenate([s, ub], axis=2) + pos[None, :, :]
    h_ref[...] = h
    X = h.reshape(N, HIDDEN)
    XT = X.T

    kiota = lax.broadcasted_iota(jnp.int32, (BB, KP, N), 1)
    riota = lax.broadcasted_iota(jnp.int32, (BB, N), 0)
    bcol = lax.broadcasted_iota(jnp.int32, (BB, N), 1) // T
    giota = lax.broadcasted_iota(jnp.int32, (GK, N), 0)
    grow = lax.broadcasted_iota(jnp.int32, (GK, HIDDEN), 0)

    C0 = jnp.where((grow % KP) < K, h[:, :KP, :].reshape(GK, HIDDEN), PADC)

    def assign(C):
        Cm = -2.0 * C
        G = lax.dot_general(Cm, XT, (((1,), (0,)), ((), ())), **_DOT)
        c2 = 0.5 * jnp.sum(Cm * Cm, axis=1, keepdims=True)
        d3 = (0.5 * c2 + G).reshape(BB, KP, N)
        dmin = jnp.min(d3, axis=1)
        idsk = jnp.min(jnp.where(d3 == dmin[:, None, :], kiota, KP), axis=1)
        return jnp.sum(jnp.where(riota == bcol, idsk, 0), axis=0,
                       keepdims=True)

    def body(i, C):
        ids = assign(C)
        g = bcol[0:1, :] * KP + ids
        OT = (giota == g).astype(jnp.float32)
        sums = lax.dot_general(OT, X, (((1,), (0,)), ((), ())), **_DOT)
        cnt = jnp.sum(OT, axis=1, keepdims=True)
        return jnp.where(cnt > 0.0, sums / jnp.maximum(cnt, 1.0), C)

    C = lax.fori_loop(0, ITERS, body, C0)
    ids_ref[...] = assign(C)[None]
    cen_ref[...] = C.reshape(BB, KP, HIDDEN)


@jax.jit
def _kmeans_tc(s, u, pos):
    return pl.pallas_call(
        _kmeans_body,
        grid=(B // BB,),
        in_specs=[
            pl.BlockSpec((BB, T, D_ITEM), lambda i: (i, 0, 0)),
            pl.BlockSpec((BB, D_USER), lambda i: (i, 0)),
            pl.BlockSpec((T, HIDDEN), lambda i: (0, 0)),
        ],
        out_specs=[
            pl.BlockSpec((BB, T, HIDDEN), lambda i: (i, 0, 0)),
            pl.BlockSpec((1, 1, N), lambda i: (i, 0, 0)),
            pl.BlockSpec((BB, KP, HIDDEN), lambda i: (i, 0, 0)),
        ],
        out_shape=[
            jax.ShapeDtypeStruct((B, T, HIDDEN), jnp.float32),
            jax.ShapeDtypeStruct((B // BB, 1, N), jnp.int32),
            jax.ShapeDtypeStruct((B, KP, HIDDEN), jnp.float32),
        ],
    )(s, u, pos)


def kernel(user_ids, seq, pos_seqs, neg_seqs, item_table, user_table, pos_table):
    seq3d = seq.astype(jnp.int32).reshape(NW, ROWS_W // GCH, GCH)
    uids = user_ids.astype(jnp.int32)
    s3d, u = _sc_gather(seq3d, uids, item_table, user_table)
    s = s3d.reshape(B, T, D_ITEM)
    h, ids3, cen_r = _kmeans_tc(s, u, pos_table)
    return h, ids3.reshape(B, T), cen_r[:, :K, :]

# --- scband reference (transcript-rebuilt; emitter-appended) ---
"""Pipeline reference for scband-uptrec-24962349925015 (READ-ONLY COPY).

The authoritative reference and input builder live on the scoring server;
editing this copy changes nothing except your own understanding.
"""

import jax, jax.numpy as jnp
import numpy as np

ITEMNUM = 1000000
USERNUM = 100000
D_ITEM = 64
D_USER = 64
HIDDEN = D_ITEM + D_USER
MAXLEN = 200
B = 1024
NUM_CLUSTERS = 10
KMEANS_ITERS = 10


def setup_inputs(seed: int = 0) -> dict:
    key = jax.random.key(seed)
    ks = jax.random.split(key, 7)
    user_ids = jax.random.randint(ks[0], (B,), 0, USERNUM)
    seq = jax.random.randint(ks[1], (B, MAXLEN), 0, ITEMNUM)
    pos_seqs = jax.random.randint(ks[2], (B, MAXLEN), 0, ITEMNUM)
    neg_seqs = jax.random.randint(ks[3], (B, MAXLEN), 0, ITEMNUM)
    item_table = jax.random.normal(ks[4], (ITEMNUM + 1, D_ITEM), dtype=jnp.float32) * 0.02
    user_table = jax.random.normal(ks[5], (USERNUM + 1, D_USER), dtype=jnp.float32) * 0.02
    pos_table = jax.random.normal(ks[6], (MAXLEN, HIDDEN), dtype=jnp.float32) * 0.02
    return {"user_ids": user_ids, "seq": seq, "pos_seqs": pos_seqs, "neg_seqs": neg_seqs,
            "item_table": item_table, "user_table": user_table, "pos_table": pos_table}


def _kmeans(X):
    # X: [T, C]. Deterministic init from first NUM_CLUSTERS points, euclidean kmeans.
    C0 = X[:NUM_CLUSTERS]

    def body(i, C):
        d = jnp.sum((X[:, None, :] - C[None, :, :]) ** 2, axis=-1)  # [T, K]
        ids = jnp.argmin(d, axis=1)  # [T]
        sums = jnp.zeros_like(C).at[ids].add(X)
        cnt = jnp.zeros((NUM_CLUSTERS,), X.dtype).at[ids].add(1.0)
        newC = jnp.where(cnt[:, None] > 0, sums / jnp.maximum(cnt, 1.0)[:, None], C)
        return newC

    C = jax.lax.fori_loop(0, KMEANS_ITERS, body, C0)
    d = jnp.sum((X[:, None, :] - C[None, :, :]) ** 2, axis=-1)
    ids = jnp.argmin(d, axis=1)
    return ids, C


def reference(user_ids, seq, pos_seqs, neg_seqs, item_table, user_table, pos_table):
    # item embedding lookup: [B, T, D_ITEM]
    s = jnp.take(item_table, seq, axis=0)
    T = s.shape[1]
    # position embedding: [1, T, HIDDEN]
    positions = jnp.take(pos_table, jnp.arange(T), axis=0)[None, :, :]
    # user embedding broadcast over sequence: [B, T, D_USER]
    u = jnp.take(user_table, user_ids, axis=0)[:, None, :]
    u = jnp.broadcast_to(u, (s.shape[0], T, u.shape[-1]))
    h = jnp.concatenate([s, u], axis=2)  # [B, T, HIDDEN]
    h = h + positions
    # emb_dropout is identity at inference
    cluster_ids, centers = jax.vmap(_kmeans)(h)  # [B, T], [B, K, HIDDEN]
    return h, cluster_ids, centers

if __name__ == "__main__":
    import jax
    _d = setup_inputs()
    print(jax.jit(kernel)(*tuple(_d.values())))

</pallas_src>

<mosaic_0001>
#map = affine_map<(d0, d1) -> (0, 0, 0)>
#map1 = affine_map<(d0, d1) -> (0)>
#map2 = affine_map<(d0, d1) -> (0, 0)>
module attributes {stable_mosaic.version = 14 : i64} {
  func.func @_sc_gather_body(%arg0: i32, %arg1: i32, %arg2: memref<32x50x128xi32, #tpu.memory_space<hbm>>, %arg3: memref<1024xi32, #tpu.memory_space<hbm>>, %arg4: memref<1000001x64xf32, #tpu.memory_space<hbm>>, %arg5: memref<100001x64xf32, #tpu.memory_space<hbm>>, %arg6: memref<1600x128x64xf32, #tpu.memory_space<hbm>>, %arg7: memref<1024x64xf32, #tpu.memory_space<hbm>>, %arg8: memref<50x128xi32, #tpu.memory_space<vmem>>, %arg9: memref<10x128x64xf32, #tpu.memory_space<vmem>>, %arg10: memref<32xi32, #tpu.memory_space<vmem>>, %arg11: memref<32x64xf32, #tpu.memory_space<vmem>>, %arg12: memref<!tpu.dma_semaphore, #tpu.memory_space<semaphore_mem>>) attributes {dimension_semantics = [#tpu.dimension_semantics<core_parallel>, #tpu.dimension_semantics<subcore_parallel>], iteration_bounds = array<i64: 2, 16>, scalar_prefetch = 0 : i64, scratch_operands = 5 : i64, tpu.core_type = #tpu.core_type<sc_vector_subcore>, window_params = [{transform_indices = #map}, {transform_indices = #map1}, {transform_indices = #map2}, {transform_indices = #map2}, {transform_indices = #map}, {transform_indices = #map2}]} {
    %mul3A = arith.constant 2 : i32
    %mul3A_0 = arith.muli %arg1, %mul3A : i32
    %add3A = arith.addi %mul3A_0, %arg0 : i32
    %mul3A_1 = arith.constant 32 : i32
    %mul3A_2 = arith.muli %add3A, %mul3A_1 : i32
    "tpu.region"() ({
      %run_scoped3A = tpu.sem_alloc : memref<!tpu.dma_semaphore, #tpu.memory_space<semaphore_mem>>
      %dma_start3A_13 = tpu.memref_slice %arg3[%mul3A_2] : memref<1024xi32, #tpu.memory_space<hbm>> -> memref<32xi32, #tpu.memory_space<hbm>>
      %dma_start3A_14 = tpu.memref_slice %arg3[%mul3A_2] : memref<1024xi32, #tpu.memory_space<hbm>> -> memref<32xi32, #tpu.memory_space<hbm>>
      tpu.enqueue_dma source(%dma_start3A_14 : memref<32xi32, #tpu.memory_space<hbm>>) target(%arg10 : memref<32xi32, #tpu.memory_space<vmem>>) target_semaphore(%run_scoped3A : memref<!tpu.dma_semaphore, #tpu.memory_space<semaphore_mem>>)
      %dma_wait3A_15 = tpu.memref_slice %arg3[%mul3A_2] : memref<1024xi32, #tpu.memory_space<hbm>> -> memref<32xi32, #tpu.memory_space<hbm>>
      %dma_wait3A_16 = tpu.memref_slice %arg3[%mul3A_2] : memref<1024xi32, #tpu.memory_space<hbm>> -> memref<32xi32, #tpu.memory_space<hbm>>
      tpu.wait_dma2 semaphore(%run_scoped3A : memref<!tpu.dma_semaphore, #tpu.memory_space<semaphore_mem>>) src(%dma_wait3A_16 : memref<32xi32, #tpu.memory_space<hbm>>) dst(%arg10 : memref<32xi32, #tpu.memory_space<vmem>>)
      tpu.yield
    }) : () -> ()
    %dma_start3A = arith.constant 0 : i32
    %dma_start3A_3 = arith.constant 0 : i32
    %dma_start3A_4 = tpu.memref_slice %arg5[%dma_start3A, %dma_start3A_3] : memref<100001x64xf32, #tpu.memory_space<hbm>> -> memref<100001x64xf32, #tpu.memory_space<hbm>>
    tpu.enqueue_indirect_dma source(%dma_start3A_4 : memref<100001x64xf32, #tpu.memory_space<hbm>>) target(%arg11 : memref<32x64xf32, #tpu.memory_space<vmem>>) offsets(%arg10 : memref<32xi32, #tpu.memory_space<vmem>>) semaphore(%arg12 : memref<!tpu.dma_semaphore, #tpu.memory_space<semaphore_mem>>)
    %dma_wait3A = arith.constant 0 : i32
    %dma_wait3A_5 = arith.constant 0 : i32
    %dma_wait3A_6 = tpu.memref_slice %arg5[%dma_wait3A, %dma_wait3A_5] : memref<100001x64xf32, #tpu.memory_space<hbm>> -> memref<100001x64xf32, #tpu.memory_space<hbm>>
    tpu.wait_indirect_dma semaphore(%arg12 : memref<!tpu.dma_semaphore, #tpu.memory_space<semaphore_mem>>) src(%dma_wait3A_6 : memref<100001x64xf32, #tpu.memory_space<hbm>>) dst(%arg11 : memref<32x64xf32, #tpu.memory_space<vmem>>)
    %mul3A_7 = arith.constant 32 : i32
    %mul3A_8 = arith.muli %add3A, %mul3A_7 : i32
    "tpu.region"() ({
      %run_scoped3A = tpu.sem_alloc : memref<!tpu.dma_semaphore, #tpu.memory_space<semaphore_mem>>
      %dma_start3A_13 = arith.constant 0 : i32
      %dma_start3A_14 = tpu.memref_slice %arg7[%mul3A_8, %dma_start3A_13] : memref<1024x64xf32, #tpu.memory_space<hbm>> -> memref<32x64xf32, #tpu.memory_space<hbm>>
      %dma_start3A_15 = arith.constant 0 : i32
      %dma_start3A_16 = tpu.memref_slice %arg7[%mul3A_8, %dma_start3A_15] : memref<1024x64xf32, #tpu.memory_space<hbm>> -> memref<32x64xf32, #tpu.memory_space<hbm>>
      tpu.enqueue_dma source(%arg11 : memref<32x64xf32, #tpu.memory_space<vmem>>) target(%dma_start3A_16 : memref<32x64xf32, #tpu.memory_space<hbm>>) target_semaphore(%run_scoped3A : memref<!tpu.dma_semaphore, #tpu.memory_space<semaphore_mem>>)
      %dma_wait3A_17 = arith.constant 0 : i32
      %dma_wait3A_18 = tpu.memref_slice %arg7[%mul3A_8, %dma_wait3A_17] : memref<1024x64xf32, #tpu.memory_space<hbm>> -> memref<32x64xf32, #tpu.memory_space<hbm>>
      %dma_wait3A_19 = arith.constant 0 : i32
      %dma_wait3A_20 = tpu.memref_slice %arg7[%mul3A_8, %dma_wait3A_19] : memref<1024x64xf32, #tpu.memory_space<hbm>> -> memref<32x64xf32, #tpu.memory_space<hbm>>
      tpu.wait_dma2 semaphore(%run_scoped3A : memref<!tpu.dma_semaphore, #tpu.memory_space<semaphore_mem>>) src(%arg11 : memref<32x64xf32, #tpu.memory_space<vmem>>) dst(%dma_wait3A_20 : memref<32x64xf32, #tpu.memory_space<hbm>>)
      tpu.yield
    }) : () -> ()
    "tpu.region"() ({
      %run_scoped3A = tpu.sem_alloc : memref<!tpu.dma_semaphore, #tpu.memory_space<semaphore_mem>>
      %dma_start3A_13 = arith.constant 0 : i32
      %dma_start3A_14 = arith.constant 0 : i32
      %dma_start3A_15 = tpu.memref_slice %arg2[%add3A, %dma_start3A_13, %dma_start3A_14] : memref<32x50x128xi32, #tpu.memory_space<hbm>> -> memref<1x50x128xi32, #tpu.memory_space<hbm>>
      %dma_start3A_16 = tpu.memref_squeeze %dma_start3A_15 : memref<1x50x128xi32, #tpu.memory_space<hbm>> -> memref<50x128xi32, #tpu.memory_space<hbm>>
      %dma_start3A_17 = arith.constant 0 : i32
      %dma_start3A_18 = arith.constant 0 : i32
      %dma_start3A_19 = tpu.memref_slice %arg2[%add3A, %dma_start3A_17, %dma_start3A_18] : memref<32x50x128xi32, #tpu.memory_space<hbm>> -> memref<1x50x128xi32, #tpu.memory_space<hbm>>
      %dma_start3A_20 = tpu.memref_squeeze %dma_start3A_19 : memref<1x50x128xi32, #tpu.memory_space<hbm>> -> memref<50x128xi32, #tpu.memory_space<hbm>>
      tpu.enqueue_dma source(%dma_start3A_20 : memref<50x128xi32, #tpu.memory_space<hbm>>) target(%arg8 : memref<50x128xi32, #tpu.memory_space<vmem>>) target_semaphore(%run_scoped3A : memref<!tpu.dma_semaphore, #tpu.memory_space<semaphore_mem>>)
      %dma_wait3A_21 = arith.constant 0 : i32
      %dma_wait3A_22 = arith.constant 0 : i32
      %dma_wait3A_23 = tpu.memref_slice %arg2[%add3A, %dma_wait3A_21, %dma_wait3A_22] : memref<32x50x128xi32, #tpu.memory_space<hbm>> -> memref<1x50x128xi32, #tpu.memory_space<hbm>>
      %dma_wait3A_24 = tpu.memref_squeeze %dma_wait3A_23 : memref<1x50x128xi32, #tpu.memory_space<hbm>> -> memref<50x128xi32, #tpu.memory_space<hbm>>
      %dma_wait3A_25 = arith.constant 0 : i32
      %dma_wait3A_26 = arith.constant 0 : i32
      %dma_wait3A_27 = tpu.memref_slice %arg2[%add3A, %dma_wait3A_25, %dma_wait3A_26] : memref<32x50x128xi32, #tpu.memory_space<hbm>> -> memref<1x50x128xi32, #tpu.memory_space<hbm>>
      %dma_wait3A_28 = tpu.memref_squeeze %dma_wait3A_27 : memref<1x50x128xi32, #tpu.memory_space<hbm>> -> memref<50x128xi32, #tpu.memory_space<hbm>>
      tpu.wait_dma2 semaphore(%run_scoped3A : memref<!tpu.dma_semaphore, #tpu.memory_space<semaphore_mem>>) src(%dma_wait3A_28 : memref<50x128xi32, #tpu.memory_space<hbm>>) dst(%arg8 : memref<50x128xi32, #tpu.memory_space<vmem>>)
      tpu.yield
    }) : () -> ()
    %scan3A = arith.constant 0 : i32
    %scan3A_9 = arith.constant 5 : i32
    %scan3A_10 = arith.addi %scan3A, %scan3A_9 : i32
    %scan3A_11 = arith.constant 1 : i32
    scf.for %scan3A_13 = %scan3A to %scan3A_10 step %scan3A_11  : i32 {
      %mul3A_14 = arith.constant 10 : i32
      %mul3A_15 = arith.muli %scan3A_13, %mul3A_14 : i32
      %add3A_16 = arith.constant 0 : i32
      %add3A_17 = arith.addi %mul3A_15, %add3A_16 : i32
      %dma_start3A_18 = arith.constant 0 : i32
      %dma_start3A_19 = arith.constant 0 : i32
      %dma_start3A_20 = arith.constant 0 : i32
      %dma_start3A_21 = tpu.memref_slice %arg9[%dma_start3A_18, %dma_start3A_19, %dma_start3A_20] : memref<10x128x64xf32, #tpu.memory_space<vmem>> -> memref<1x128x64xf32, #tpu.memory_space<vmem>>
      %dma_start3A_22 = tpu.memref_squeeze %dma_start3A_21 : memref<1x128x64xf32, #tpu.memory_space<vmem>> -> memref<128x64xf32, #tpu.memory_space<vmem>>
      %dma_start3A_23 = arith.constant 0 : i32
      %dma_start3A_24 = tpu.memref_slice %arg8[%add3A_17, %dma_start3A_23] : memref<50x128xi32, #tpu.memory_space<vmem>> -> memref<1x128xi32, #tpu.memory_space<vmem>>
      %dma_start3A_25 = tpu.memref_squeeze %dma_start3A_24 : memref<1x128xi32, #tpu.memory_space<vmem>> -> memref<128xi32, #tpu.memory_space<vmem>>
      %dma_start3A_26 = arith.constant 0 : i32
      %dma_start3A_27 = arith.constant 0 : i32
      %dma_start3A_28 = tpu.memref_slice %arg4[%dma_start3A_26, %dma_start3A_27] : memref<1000001x64xf32, #tpu.memory_space<hbm>> -> memref<1000001x64xf32, #tpu.memory_space<hbm>>
      tpu.enqueue_indirect_dma source(%dma_start3A_28 : memref<1000001x64xf32, #tpu.memory_space<hbm>>) target(%dma_start3A_22 : memref<128x64xf32, #tpu.memory_space<vmem>>) offsets(%dma_start3A_25 : memref<128xi32, #tpu.memory_space<vmem>>) semaphore(%arg12 : memref<!tpu.dma_semaphore, #tpu.memory_space<semaphore_mem>>)
      %dma_wait3A_29 = arith.constant 0 : i32
      %dma_wait3A_30 = arith.constant 0 : i32
      %dma_wait3A_31 = arith.constant 0 : i32
      %dma_wait3A_32 = tpu.memref_slice %arg9[%dma_wait3A_29, %dma_wait3A_30, %dma_wait3A_31] : memref<10x128x64xf32, #tpu.memory_space<vmem>> -> memref<1x128x64xf32, #tpu.memory_space<vmem>>
      %dma_wait3A_33 = tpu.memref_squeeze %dma_wait3A_32 : memref<1x128x64xf32, #tpu.memory_space<vmem>> -> memref<128x64xf32, #tpu.memory_space<vmem>>
      %dma_wait3A_34 = arith.constant 0 : i32
      %dma_wait3A_35 = tpu.memref_slice %arg8[%add3A_17, %dma_wait3A_34] : memref<50x128xi32, #tpu.memory_space<vmem>> -> memref<1x128xi32, #tpu.memory_space<vmem>>
      %dma_wait3A_36 = tpu.memref_squeeze %dma_wait3A_35 : memref<1x128xi32, #tpu.memory_space<vmem>> -> memref<128xi32, #tpu.memory_space<vmem>>
      %dma_wait3A_37 = arith.constant 0 : i32
      %dma_wait3A_38 = arith.constant 0 : i32
      %dma_wait3A_39 = tpu.memref_slice %arg4[%dma_wait3A_37, %dma_wait3A_38] : memref<1000001x64xf32, #tpu.memory_space<hbm>> -> memref<1000001x64xf32, #tpu.memory_space<hbm>>
      tpu.wait_indirect_dma semaphore(%arg12 : memref<!tpu.dma_semaphore, #tpu.memory_space<semaphore_mem>>) src(%dma_wait3A_39 : memref<1000001x64xf32, #tpu.memory_space<hbm>>) dst(%dma_wait3A_33 : memref<128x64xf32, #tpu.memory_space<vmem>>)
      %mul3A_40 = arith.constant 10 : i32
      %mul3A_41 = arith.muli %scan3A_13, %mul3A_40 : i32
      %add3A_42 = arith.constant 1 : i32
      %add3A_43 = arith.addi %mul3A_41, %add3A_42 : i32
      %dma_start3A_44 = arith.constant 1 : i32
      %dma_start3A_45 = arith.constant 0 : i32
      %dma_start3A_46 = arith.constant 0 : i32
      %dma_start3A_47 = tpu.memref_slice %arg9[%dma_start3A_44, %dma_start3A_45, %dma_start3A_46] : memref<10x128x64xf32, #tpu.memory_space<vmem>> -> memref<1x128x64xf32, #tpu.memory_space<vmem>>
      %dma_start3A_48 = tpu.memref_squeeze %dma_start3A_47 : memref<1x128x64xf32, #tpu.memory_space<vmem>> -> memref<128x64xf32, #tpu.memory_space<vmem>>
      %dma_start3A_49 = arith.constant 0 : i32
      %dma_start3A_50 = tpu.memref_slice %arg8[%add3A_43, %dma_start3A_49] : memref<50x128xi32, #tpu.memory_space<vmem>> -> memref<1x128xi32, #tpu.memory_space<vmem>>
      %dma_start3A_51 = tpu.memref_squeeze %dma_start3A_50 : memref<1x128xi32, #tpu.memory_space<vmem>> -> memref<128xi32, #tpu.memory_space<vmem>>
      %dma_start3A_52 = arith.constant 0 : i32
      %dma_start3A_53 = arith.constant 0 : i32
      %dma_start3A_54 = tpu.memref_slice %arg4[%dma_start3A_52, %dma_start3A_53] : memref<1000001x64xf32, #tpu.memory_space<hbm>> -> memref<1000001x64xf32, #tpu.memory_space<hbm>>
      tpu.enqueue_indirect_dma source(%dma_start3A_54 : memref<1000001x64xf32, #tpu.memory_space<hbm>>) target(%dma_start3A_48 : memref<128x64xf32, #tpu.memory_space<vmem>>) offsets(%dma_start3A_51 : memref<128xi32, #tpu.memory_space<vmem>>) semaphore(%arg12 : memref<!tpu.dma_semaphore, #tpu.memory_space<semaphore_mem>>)
      %dma_wait3A_55 = arith.constant 1 : i32
      %dma_wait3A_56 = arith.constant 0 : i32
      %dma_wait3A_57 = arith.constant 0 : i32
      %dma_wait3A_58 = tpu.memref_slice %arg9[%dma_wait3A_55, %dma_wait3A_56, %dma_wait3A_57] : memref<10x128x64xf32, #tpu.memory_space<vmem>> -> memref<1x128x64xf32, #tpu.memory_space<vmem>>
      %dma_wait3A_59 = tpu.memref_squeeze %dma_wait3A_58 : memref<1x128x64xf32, #tpu.memory_space<vmem>> -> memref<128x64xf32, #tpu.memory_space<vmem>>
      %dma_wait3A_60 = arith.constant 0 : i32
      %dma_wait3A_61 = tpu.memref_slice %arg8[%add3A_43, %dma_wait3A_60] : memref<50x128xi32, #tpu.memory_space<vmem>> -> memref<1x128xi32, #tpu.memory_space<vmem>>
      %dma_wait3A_62 = tpu.memref_squeeze %dma_wait3A_61 : memref<1x128xi32, #tpu.memory_space<vmem>> -> memref<128xi32, #tpu.memory_space<vmem>>
      %dma_wait3A_63 = arith.constant 0 : i32
      %dma_wait3A_64 = arith.constant 0 : i32
      %dma_wait3A_65 = tpu.memref_slice %arg4[%dma_wait3A_63, %dma_wait3A_64] : memref<1000001x64xf32, #tpu.memory_space<hbm>> -> memref<1000001x64xf32, #tpu.memory_space<hbm>>
      tpu.wait_indirect_dma semaphore(%arg12 : memref<!tpu.dma_semaphore, #tpu.memory_space<semaphore_mem>>) src(%dma_wait3A_65 : memref<1000001x64xf32, #tpu.memory_space<hbm>>) dst(%dma_wait3A_59 : memref<128x64xf32, #tpu.memory_space<vmem>>)
      %mul3A_66 = arith.constant 10 : i32
      %mul3A_67 = arith.muli %scan3A_13, %mul3A_66 : i32
      %add3A_68 = arith.constant 2 : i32
      %add3A_69 = arith.addi %mul3A_67, %add3A_68 : i32
      %dma_start3A_70 = arith.constant 2 : i32
      %dma_start3A_71 = arith.constant 0 : i32
      %dma_start3A_72 = arith.constant 0 : i32
      %dma_start3A_73 = tpu.memref_slice %arg9[%dma_start3A_70, %dma_start3A_71, %dma_start3A_72] : memref<10x128x64xf32, #tpu.memory_space<vmem>> -> memref<1x128x64xf32, #tpu.memory_space<vmem>>
      %dma_start3A_74 = tpu.memref_squeeze %dma_start3A_73 : memref<1x128x64xf32, #tpu.memory_space<vmem>> -> memref<128x64xf32, #tpu.memory_space<vmem>>
      %dma_start3A_75 = arith.constant 0 : i32
      %dma_start3A_76 = tpu.memref_slice %arg8[%add3A_69, %dma_start3A_75] : memref<50x128xi32, #tpu.memory_space<vmem>> -> memref<1x128xi32, #tpu.memory_space<vmem>>
      %dma_start3A_77 = tpu.memref_squeeze %dma_start3A_76 : memref<1x128xi32, #tpu.memory_space<vmem>> -> memref<128xi32, #tpu.memory_space<vmem>>
      %dma_start3A_78 = arith.constant 0 : i32
      %dma_start3A_79 = arith.constant 0 : i32
      %dma_start3A_80 = tpu.memref_slice %arg4[%dma_start3A_78, %dma_start3A_79] : memref<1000001x64xf32, #tpu.memory_space<hbm>> -> memref<1000001x64xf32, #tpu.memory_space<hbm>>
      tpu.enqueue_indirect_dma source(%dma_start3A_80 : memref<1000001x64xf32, #tpu.memory_space<hbm>>) target(%dma_start3A_74 : memref<128x64xf32, #tpu.memory_space<vmem>>) offsets(%dma_start3A_77 : memref<128xi32, #tpu.memory_space<vmem>>) semaphore(%arg12 : memref<!tpu.dma_semaphore, #tpu.memory_space<semaphore_mem>>)
      %dma_wait3A_81 = arith.constant 2 : i32
      %dma_wait3A_82 = arith.constant 0 : i32
      %dma_wait3A_83 = arith.constant 0 : i32
      %dma_wait3A_84 = tpu.memref_slice %arg9[%dma_wait3A_81, %dma_wait3A_82, %dma_wait3A_83] : memref<10x128x64xf32, #tpu.memory_space<vmem>> -> memref<1x128x64xf32, #tpu.memory_space<vmem>>
      %dma_wait3A_85 = tpu.memref_squeeze %dma_wait3A_84 : memref<1x128x64xf32, #tpu.memory_space<vmem>> -> memref<128x64xf32, #tpu.memory_space<vmem>>
      %dma_wait3A_86 = arith.constant 0 : i32
      %dma_wait3A_87 = tpu.memref_slice %arg8[%add3A_69, %dma_wait3A_86] : memref<50x128xi32, #tpu.memory_space<vmem>> -> memref<1x128xi32, #tpu.memory_space<vmem>>
      %dma_wait3A_88 = tpu.memref_squeeze %dma_wait3A_87 : memref<1x128xi32, #tpu.memory_space<vmem>> -> memref<128xi32, #tpu.memory_space<vmem>>
      %dma_wait3A_89 = arith.constant 0 : i32
      %dma_wait3A_90 = arith.constant 0 : i32
      %dma_wait3A_91 = tpu.memref_slice %arg4[%dma_wait3A_89, %dma_wait3A_90] : memref<1000001x64xf32, #tpu.memory_space<hbm>> -> memref<1000001x64xf32, #tpu.memory_space<hbm>>
      tpu.wait_indirect_dma semaphore(%arg12 : memref<!tpu.dma_semaphore, #tpu.memory_space<semaphore_mem>>) src(%dma_wait3A_91 : memref<1000001x64xf32, #tpu.memory_space<hbm>>) dst(%dma_wait3A_85 : memref<128x64xf32, #tpu.memory_space<vmem>>)
      %mul3A_92 = arith.constant 10 : i32
      %mul3A_93 = arith.muli %scan3A_13, %mul3A_92 : i32
      %add3A_94 = arith.constant 3 : i32
      %add3A_95 = arith.addi %mul3A_93, %add3A_94 : i32
      %dma_start3A_96 = arith.constant 3 : i32
      %dma_start3A_97 = arith.constant 0 : i32
      %dma_start3A_98 = arith.constant 0 : i32
      %dma_start3A_99 = tpu.memref_slice %arg9[%dma_start3A_96, %dma_start3A_97, %dma_start3A_98] : memref<10x128x64xf32, #tpu.memory_space<vmem>> -> memref<1x128x64xf32, #tpu.memory_space<vmem>>
      %dma_start3A_100 = tpu.memref_squeeze %dma_start3A_99 : memref<1x128x64xf32, #tpu.memory_space<vmem>> -> memref<128x64xf32, #tpu.memory_space<vmem>>
      %dma_start3A_101 = arith.constant 0 : i32
      %dma_start3A_102 = tpu.memref_slice %arg8[%add3A_95, %dma_start3A_101] : memref<50x128xi32, #tpu.memory_space<vmem>> -> memref<1x128xi32, #tpu.memory_space<vmem>>
      %dma_start3A_103 = tpu.memref_squeeze %dma_start3A_102 : memref<1x128xi32, #tpu.memory_space<vmem>> -> memref<128xi32, #tpu.memory_space<vmem>>
      %dma_start3A_104 = arith.constant 0 : i32
      %dma_start3A_105 = arith.constant 0 : i32
      %dma_start3A_106 = tpu.memref_slice %arg4[%dma_start3A_104, %dma_start3A_105] : memref<1000001x64xf32, #tpu.memory_space<hbm>> -> memref<1000001x64xf32, #tpu.memory_space<hbm>>
      tpu.enqueue_indirect_dma source(%dma_start3A_106 : memref<1000001x64xf32, #tpu.memory_space<hbm>>) target(%dma_start3A_100 : memref<128x64xf32, #tpu.memory_space<vmem>>) offsets(%dma_start3A_103 : memref<128xi32, #tpu.memory_space<vmem>>) semaphore(%arg12 : memref<!tpu.dma_semaphore, #tpu.memory_space<semaphore_mem>>)
      %dma_wait3A_107 = arith.constant 3 : i32
      %dma_wait3A_108 = arith.constant 0 : i32
      %dma_wait3A_109 = arith.constant 0 : i32
      %dma_wait3A_110 = tpu.memref_slice %arg9[%dma_wait3A_107, %dma_wait3A_108, %dma_wait3A_109] : memref<10x128x64xf32, #tpu.memory_space<vmem>> -> memref<1x128x64xf32, #tpu.memory_space<vmem>>
      %dma_wait3A_111 = tpu.memref_squeeze %dma_wait3A_110 : memref<1x128x64xf32, #tpu.memory_space<vmem>> -> memref<128x64xf32, #tpu.memory_space<vmem>>
      %dma_wait3A_112 = arith.constant 0 : i32
      %dma_wait3A_113 = tpu.memref_slice %arg8[%add3A_95, %dma_wait3A_112] : memref<50x128xi32, #tpu.memory_space<vmem>> -> memref<1x128xi32, #tpu.memory_space<vmem>>
      %dma_wait3A_114 = tpu.memref_squeeze %dma_wait3A_113 : memref<1x128xi32, #tpu.memory_space<vmem>> -> memref<128xi32, #tpu.memory_space<vmem>>
      %dma_wait3A_115 = arith.constant 0 : i32
      %dma_wait3A_116 = arith.constant 0 : i32
      %dma_wait3A_117 = tpu.memref_slice %arg4[%dma_wait3A_115, %dma_wait3A_116] : memref<1000001x64xf32, #tpu.memory_space<hbm>> -> memref<1000001x64xf32, #tpu.memory_space<hbm>>
      tpu.wait_indirect_dma semaphore(%arg12 : memref<!tpu.dma_semaphore, #tpu.memory_space<semaphore_mem>>) src(%dma_wait3A_117 : memref<1000001x64xf32, #tpu.memory_space<hbm>>) dst(%dma_wait3A_111 : memref<128x64xf32, #tpu.memory_space<vmem>>)
      %mul3A_118 = arith.constant 10 : i32
      %mul3A_119 = arith.muli %scan3A_13, %mul3A_118 : i32
      %add3A_120 = arith.constant 4 : i32
      %add3A_121 = arith.addi %mul3A_119, %add3A_120 : i32
      %dma_start3A_122 = arith.constant 4 : i32
      %dma_start3A_123 = arith.constant 0 : i32
      %dma_start3A_124 = arith.constant 0 : i32
      %dma_start3A_125 = tpu.memref_slice %arg9[%dma_start3A_122, %dma_start3A_123, %dma_start3A_124] : memref<10x128x64xf32, #tpu.memory_space<vmem>> -> memref<1x128x64xf32, #tpu.memory_space<vmem>>
      %dma_start3A_126 = tpu.memref_squeeze %dma_start3A_125 : memref<1x128x64xf32, #tpu.memory_space<vmem>> -> memref<128x64xf32, #tpu.memory_space<vmem>>
      %dma_start3A_127 = arith.constant 0 : i32
      %dma_start3A_128 = tpu.memref_slice %arg8[%add3A_121, %dma_start3A_127] : memref<50x128xi32, #tpu.memory_space<vmem>> -> memref<1x128xi32, #tpu.memory_space<vmem>>
      %dma_start3A_129 = tpu.memref_squeeze %dma_start3A_128 : memref<1x128xi32, #tpu.memory_space<vmem>> -> memref<128xi32, #tpu.memory_space<vmem>>
      %dma_start3A_130 = arith.constant 0 : i32
      %dma_start3A_131 = arith.constant 0 : i32
      %dma_start3A_132 = tpu.memref_slice %arg4[%dma_start3A_130, %dma_start3A_131] : memref<1000001x64xf32, #tpu.memory_space<hbm>> -> memref<1000001x64xf32, #tpu.memory_space<hbm>>
      tpu.enqueue_indirect_dma source(%dma_start3A_132 : memref<1000001x64xf32, #tpu.memory_space<hbm>>) target(%dma_start3A_126 : memref<128x64xf32, #tpu.memory_space<vmem>>) offsets(%dma_start3A_129 : memref<128xi32, #tpu.memory_space<vmem>>) semaphore(%arg12 : memref<!tpu.dma_semaphore, #tpu.memory_space<semaphore_mem>>)
      %dma_wait3A_133 = arith.constant 4 : i32
      %dma_wait3A_134 = arith.constant 0 : i32
      %dma_wait3A_135 = arith.constant 0 : i32
      %dma_wait3A_136 = tpu.memref_slice %arg9[%dma_wait3A_133, %dma_wait3A_134, %dma_wait3A_135] : memref<10x128x64xf32, #tpu.memory_space<vmem>> -> memref<1x128x64xf32, #tpu.memory_space<vmem>>
      %dma_wait3A_137 = tpu.memref_squeeze %dma_wait3A_136 : memref<1x128x64xf32, #tpu.memory_space<vmem>> -> memref<128x64xf32, #tpu.memory_space<vmem>>
      %dma_wait3A_138 = arith.constant 0 : i32
      %dma_wait3A_139 = tpu.memref_slice %arg8[%add3A_121, %dma_wait3A_138] : memref<50x128xi32, #tpu.memory_space<vmem>> -> memref<1x128xi32, #tpu.memory_space<vmem>>
      %dma_wait3A_140 = tpu.memref_squeeze %dma_wait3A_139 : memref<1x128xi32, #tpu.memory_space<vmem>> -> memref<128xi32, #tpu.memory_space<vmem>>
      %dma_wait3A_141 = arith.constant 0 : i32
      %dma_wait3A_142 = arith.constant 0 : i32
      %dma_wait3A_143 = tpu.memref_slice %arg4[%dma_wait3A_141, %dma_wait3A_142] : memref<1000001x64xf32, #tpu.memory_space<hbm>> -> memref<1000001x64xf32, #tpu.memory_space<hbm>>
      tpu.wait_indirect_dma semaphore(%arg12 : memref<!tpu.dma_semaphore, #tpu.memory_space<semaphore_mem>>) src(%dma_wait3A_143 : memref<1000001x64xf32, #tpu.memory_space<hbm>>) dst(%dma_wait3A_137 : memref<128x64xf32, #tpu.memory_space<vmem>>)
      %mul3A_144 = arith.constant 10 : i32
      %mul3A_145 = arith.muli %scan3A_13, %mul3A_144 : i32
      %add3A_146 = arith.constant 5 : i32
      %add3A_147 = arith.addi %mul3A_145, %add3A_146 : i32
      %dma_start3A_148 = arith.constant 5 : i32
      %dma_start3A_149 = arith.constant 0 : i32
      %dma_start3A_150 = arith.constant 0 : i32
      %dma_start3A_151 = tpu.memref_slice %arg9[%dma_start3A_148, %dma_start3A_149, %dma_start3A_150] : memref<10x128x64xf32, #tpu.memory_space<vmem>> -> memref<1x128x64xf32, #tpu.memory_space<vmem>>
      %dma_start3A_152 = tpu.memref_squeeze %dma_start3A_151 : memref<1x128x64xf32, #tpu.memory_space<vmem>> -> memref<128x64xf32, #tpu.memory_space<vmem>>
      %dma_start3A_153 = arith.constant 0 : i32
      %dma_start3A_154 = tpu.memref_slice %arg8[%add3A_147, %dma_start3A_153] : memref<50x128xi32, #tpu.memory_space<vmem>> -> memref<1x128xi32, #tpu.memory_space<vmem>>
      %dma_start3A_155 = tpu.memref_squeeze %dma_start3A_154 : memref<1x128xi32, #tpu.memory_space<vmem>> -> memref<128xi32, #tpu.memory_space<vmem>>
      %dma_start3A_156 = arith.constant 0 : i32
      %dma_start3A_157 = arith.constant 0 : i32
      %dma_start3A_158 = tpu.memref_slice %arg4[%dma_start3A_156, %dma_start3A_157] : memref<1000001x64xf32, #tpu.memory_space<hbm>> -> memref<1000001x64xf32, #tpu.memory_space<hbm>>
      tpu.enqueue_indirect_dma source(%dma_start3A_158 : memref<1000001x64xf32, #tpu.memory_space<hbm>>) target(%dma_start3A_152 : memref<128x64xf32, #tpu.memory_space<vmem>>) offsets(%dma_start3A_155 : memref<128xi32, #tpu.memory_space<vmem>>) semaphore(%arg12 : memref<!tpu.dma_semaphore, #tpu.memory_space<semaphore_mem>>)
      %dma_wait3A_159 = arith.constant 5 : i32
      %dma_wait3A_160 = arith.constant 0 : i32
      %dma_wait3A_161 = arith.constant 0 : i32
      %dma_wait3A_162 = tpu.memref_slice %arg9[%dma_wait3A_159, %dma_wait3A_160, %dma_wait3A_161] : memref<10x128x64xf32, #tpu.memory_space<vmem>> -> memref<1x128x64xf32, #tpu.memory_space<vmem>>
      %dma_wait3A_163 = tpu.memref_squeeze %dma_wait3A_162 : memref<1x128x64xf32, #tpu.memory_space<vmem>> -> memref<128x64xf32, #tpu.memory_space<vmem>>
      %dma_wait3A_164 = arith.constant 0 : i32
      %dma_wait3A_165 = tpu.memref_slice %arg8[%add3A_147, %dma_wait3A_164] : memref<50x128xi32, #tpu.memory_space<vmem>> -> memref<1x128xi32, #tpu.memory_space<vmem>>
      %dma_wait3A_166 = tpu.memref_squeeze %dma_wait3A_165 : memref<1x128xi32, #tpu.memory_space<vmem>> -> memref<128xi32, #tpu.memory_space<vmem>>
      %dma_wait3A_167 = arith.constant 0 : i32
      %dma_wait3A_168 = arith.constant 0 : i32
      %dma_wait3A_169 = tpu.memref_slice %arg4[%dma_wait3A_167, %dma_wait3A_168] : memref<1000001x64xf32, #tpu.memory_space<hbm>> -> memref<1000001x64xf32, #tpu.memory_space<hbm>>
      tpu.wait_indirect_dma semaphore(%arg12 : memref<!tpu.dma_semaphore, #tpu.memory_space<semaphore_mem>>) src(%dma_wait3A_169 : memref<1000001x64xf32, #tpu.memory_space<hbm>>) dst(%dma_wait3A_163 : memref<128x64xf32, #tpu.memory_space<vmem>>)
      %mul3A_170 = arith.constant 10 : i32
      %mul3A_171 = arith.muli %scan3A_13, %mul3A_170 : i32
      %add3A_172 = arith.constant 6 : i32
      %add3A_173 = arith.addi %mul3A_171, %add3A_172 : i32
      %dma_start3A_174 = arith.constant 6 : i32
      %dma_start3A_175 = arith.constant 0 : i32
      %dma_start3A_176 = arith.constant 0 : i32
      %dma_start3A_177 = tpu.memref_slice %arg9[%dma_start3A_174, %dma_start3A_175, %dma_start3A_176] : memref<10x128x64xf32, #tpu.memory_space<vmem>> -> memref<1x128x64xf32, #tpu.memory_space<vmem>>
      %dma_start3A_178 = tpu.memref_squeeze %dma_start3A_177 : memref<1x128x64xf32, #tpu.memory_space<vmem>> -> memref<128x64xf32, #tpu.memory_space<vmem>>
      %dma_start3A_179 = arith.constant 0 : i32
      %dma_start3A_180 = tpu.memref_slice %arg8[%add3A_173, %dma_start3A_179] : memref<50x128xi32, #tpu.memory_space<vmem>> -> memref<1x128xi32, #tpu.memory_space<vmem>>
      %dma_start3A_181 = tpu.memref_squeeze %dma_start3A_180 : memref<1x128xi32, #tpu.memory_space<vmem>> -> memref<128xi32, #tpu.memory_space<vmem>>
      %dma_start3A_182 = arith.constant 0 : i32
      %dma_start3A_183 = arith.constant 0 : i32
      %dma_start3A_184 = tpu.memref_slice %arg4[%dma_start3A_182, %dma_start3A_183] : memref<1000001x64xf32, #tpu.memory_space<hbm>> -> memref<1000001x64xf32, #tpu.memory_space<hbm>>
      tpu.enqueue_indirect_dma source(%dma_start3A_184 : memref<1000001x64xf32, #tpu.memory_space<hbm>>) target(%dma_start3A_178 : memref<128x64xf32, #tpu.memory_space<vmem>>) offsets(%dma_start3A_181 : memref<128xi32, #tpu.memory_space<vmem>>) semaphore(%arg12 : memref<!tpu.dma_semaphore, #tpu.memory_space<semaphore_mem>>)
      %dma_wait3A_185 = arith.constant 6 : i32
      %dma_wait3A_186 = arith.constant 0 : i32
      %dma_wait3A_187 = arith.constant 0 : i32
      %dma_wait3A_188 = tpu.memref_slice %arg9[%dma_wait3A_185, %dma_wait3A_186, %dma_wait3A_187] : memref<10x128x64xf32, #tpu.memory_space<vmem>> -> memref<1x128x64xf32, #tpu.memory_space<vmem>>
      %dma_wait3A_189 = tpu.memref_squeeze %dma_wait3A_188 : memref<1x128x64xf32, #tpu.memory_space<vmem>> -> memref<128x64xf32, #tpu.memory_space<vmem>>
      %dma_wait3A_190 = arith.constant 0 : i32
      %dma_wait3A_191 = tpu.memref_slice %arg8[%add3A_173, %dma_wait3A_190] : memref<50x128xi32, #tpu.memory_space<vmem>> -> memref<1x128xi32, #tpu.memory_space<vmem>>
      %dma_wait3A_192 = tpu.memref_squeeze %dma_wait3A_191 : memref<1x128xi32, #tpu.memory_space<vmem>> -> memref<128xi32, #tpu.memory_space<vmem>>
      %dma_wait3A_193 = arith.constant 0 : i32
      %dma_wait3A_194 = arith.constant 0 : i32
      %dma_wait3A_195 = tpu.memref_slice %arg4[%dma_wait3A_193, %dma_wait3A_194] : memref<1000001x64xf32, #tpu.memory_space<hbm>> -> memref<1000001x64xf32, #tpu.memory_space<hbm>>
      tpu.wait_indirect_dma semaphore(%arg12 : memref<!tpu.dma_semaphore, #tpu.memory_space<semaphore_mem>>) src(%dma_wait3A_195 : memref<1000001x64xf32, #tpu.memory_space<hbm>>) dst(%dma_wait3A_189 : memref<128x64xf32, #tpu.memory_space<vmem>>)
      %mul3A_196 = arith.constant 10 : i32
      %mul3A_197 = arith.muli %scan3A_13, %mul3A_196 : i32
      %add3A_198 = arith.constant 7 : i32
      %add3A_199 = arith.addi %mul3A_197, %add3A_198 : i32
      %dma_start3A_200 = arith.constant 7 : i32
      %dma_start3A_201 = arith.constant 0 : i32
      %dma_start3A_202 = arith.constant 0 : i32
      %dma_start3A_203 = tpu.memref_slice %arg9[%dma_start3A_200, %dma_start3A_201, %dma_start3A_202] : memref<10x128x64xf32, #tpu.memory_space<vmem>> -> memref<1x128x64xf32, #tpu.memory_space<vmem>>
      %dma_start3A_204 = tpu.memref_squeeze %dma_start3A_203 : memref<1x128x64xf32, #tpu.memory_space<vmem>> -> memref<128x64xf32, #tpu.memory_space<vmem>>
      %dma_start3A_205 = arith.constant 0 : i32
      %dma_start3A_206 = tpu.memref_slice %arg8[%add3A_199, %dma_start3A_205] : memref<50x128xi32, #tpu.memory_space<vmem>> -> memref<1x128xi32, #tpu.memory_space<vmem>>
      %dma_start3A_207 = tpu.memref_squeeze %dma_start3A_206 : memref<1x128xi32, #tpu.memory_space<vmem>> -> memref<128xi32, #tpu.memory_space<vmem>>
      %dma_start3A_208 = arith.constant 0 : i32
      %dma_start3A_209 = arith.constant 0 : i32
      %dma_start3A_210 = tpu.memref_slice %arg4[%dma_start3A_208, %dma_start3A_209] : memref<1000001x64xf32, #tpu.memory_space<hbm>> -> memref<1000001x64xf32, #tpu.memory_space<hbm>>
      tpu.enqueue_indirect_dma source(%dma_start3A_210 : memref<1000001x64xf32, #tpu.memory_space<hbm>>) target(%dma_start3A_204 : memref<128x64xf32, #tpu.memory_space<vmem>>) offsets(%dma_start3A_207 : memref<128xi32, #tpu.memory_space<vmem>>) semaphore(%arg12 : memref<!tpu.dma_semaphore, #tpu.memory_space<semaphore_mem>>)
      %dma_wait3A_211 = arith.constant 7 : i32
      %dma_wait3A_212 = arith.constant 0 : i32
      %dma_wait3A_213 = arith.constant 0 : i32
      %dma_wait3A_214 = tpu.memref_slice %arg9[%dma_wait3A_211, %dma_wait3A_212, %dma_wait3A_213] : memref<10x128x64xf32, #tpu.memory_space<vmem>> -> memref<1x128x64xf32, #tpu.memory_space<vmem>>
      %dma_wait3A_215 = tpu.memref_squeeze %dma_wait3A_214 : memref<1x128x64xf32, #tpu.memory_space<vmem>> -> memref<128x64xf32, #tpu.memory_space<vmem>>
      %dma_wait3A_216 = arith.constant 0 : i32
      %dma_wait3A_217 = tpu.memref_slice %arg8[%add3A_199, %dma_wait3A_216] : memref<50x128xi32, #tpu.memory_space<vmem>> -> memref<1x128xi32, #tpu.memory_space<vmem>>
      %dma_wait3A_218 = tpu.memref_squeeze %dma_wait3A_217 : memref<1x128xi32, #tpu.memory_space<vmem>> -> memref<128xi32, #tpu.memory_space<vmem>>
      %dma_wait3A_219 = arith.constant 0 : i32
      %dma_wait3A_220 = arith.constant 0 : i32
      %dma_wait3A_221 = tpu.memref_slice %arg4[%dma_wait3A_219, %dma_wait3A_220] : memref<1000001x64xf32, #tpu.memory_space<hbm>> -> memref<1000001x64xf32, #tpu.memory_space<hbm>>
      tpu.wait_indirect_dma semaphore(%arg12 : memref<!tpu.dma_semaphore, #tpu.memory_space<semaphore_mem>>) src(%dma_wait3A_221 : memref<1000001x64xf32, #tpu.memory_space<hbm>>) dst(%dma_wait3A_215 : memref<128x64xf32, #tpu.memory_space<vmem>>)
      %mul3A_222 = arith.constant 10 : i32
      %mul3A_223 = arith.muli %scan3A_13, %mul3A_222 : i32
      %add3A_224 = arith.constant 8 : i32
      %add3A_225 = arith.addi %mul3A_223, %add3A_224 : i32
      %dma_start3A_226 = arith.constant 8 : i32
      %dma_start3A_227 = arith.constant 0 : i32
      %dma_start3A_228 = arith.constant 0 : i32
      %dma_start3A_229 = tpu.memref_slice %arg9[%dma_start3A_226, %dma_start3A_227, %dma_start3A_228] : memref<10x128x64xf32, #tpu.memory_space<vmem>> -> memref<1x128x64xf32, #tpu.memory_space<vmem>>
      %dma_start3A_230 = tpu.memref_squeeze %dma_start3A_229 : memref<1x128x64xf32, #tpu.memory_space<vmem>> -> memref<128x64xf32, #tpu.memory_space<vmem>>
      %dma_start3A_231 = arith.constant 0 : i32
      %dma_start3A_232 = tpu.memref_slice %arg8[%add3A_225, %dma_start3A_231] : memref<50x128xi32, #tpu.memory_space<vmem>> -> memref<1x128xi32, #tpu.memory_space<vmem>>
      %dma_start3A_233 = tpu.memref_squeeze %dma_start3A_232 : memref<1x128xi32, #tpu.memory_space<vmem>> -> memref<128xi32, #tpu.memory_space<vmem>>
      %dma_start3A_234 = arith.constant 0 : i32
      %dma_start3A_235 = arith.constant 0 : i32
      %dma_start3A_236 = tpu.memref_slice %arg4[%dma_start3A_234, %dma_start3A_235] : memref<1000001x64xf32, #tpu.memory_space<hbm>> -> memref<1000001x64xf32, #tpu.memory_space<hbm>>
      tpu.enqueue_indirect_dma source(%dma_start3A_236 : memref<1000001x64xf32, #tpu.memory_space<hbm>>) target(%dma_start3A_230 : memref<128x64xf32, #tpu.memory_space<vmem>>) offsets(%dma_start3A_233 : memref<128xi32, #tpu.memory_space<vmem>>) semaphore(%arg12 : memref<!tpu.dma_semaphore, #tpu.memory_space<semaphore_mem>>)
      %dma_wait3A_237 = arith.constant 8 : i32
      %dma_wait3A_238 = arith.constant 0 : i32
      %dma_wait3A_239 = arith.constant 0 : i32
      %dma_wait3A_240 = tpu.memref_slice %arg9[%dma_wait3A_237, %dma_wait3A_238, %dma_wait3A_239] : memref<10x128x64xf32, #tpu.memory_space<vmem>> -> memref<1x128x64xf32, #tpu.memory_space<vmem>>
      %dma_wait3A_241 = tpu.memref_squeeze %dma_wait3A_240 : memref<1x128x64xf32, #tpu.memory_space<vmem>> -> memref<128x64xf32, #tpu.memory_space<vmem>>
      %dma_wait3A_242 = arith.constant 0 : i32
      %dma_wait3A_243 = tpu.memref_slice %arg8[%add3A_225, %dma_wait3A_242] : memref<50x128xi32, #tpu.memory_space<vmem>> -> memref<1x128xi32, #tpu.memory_space<vmem>>
      %dma_wait3A_244 = tpu.memref_squeeze %dma_wait3A_243 : memref<1x128xi32, #tpu.memory_space<vmem>> -> memref<128xi32, #tpu.memory_space<vmem>>
      %dma_wait3A_245 = arith.constant 0 : i32
      %dma_wait3A_246 = arith.constant 0 : i32
      %dma_wait3A_247 = tpu.memref_slice %arg4[%dma_wait3A_245, %dma_wait3A_246] : memref<1000001x64xf32, #tpu.memory_space<hbm>> -> memref<1000001x64xf32, #tpu.memory_space<hbm>>
      tpu.wait_indirect_dma semaphore(%arg12 : memref<!tpu.dma_semaphore, #tpu.memory_space<semaphore_mem>>) src(%dma_wait3A_247 : memref<1000001x64xf32, #tpu.memory_space<hbm>>) dst(%dma_wait3A_241 : memref<128x64xf32, #tpu.memory_space<vmem>>)
      %mul3A_248 = arith.constant 10 : i32
      %mul3A_249 = arith.muli %scan3A_13, %mul3A_248 : i32
      %add3A_250 = arith.constant 9 : i32
      %add3A_251 = arith.addi %mul3A_249, %add3A_250 : i32
      %dma_start3A_252 = arith.constant 9 : i32
      %dma_start3A_253 = arith.constant 0 : i32
      %dma_start3A_254 = arith.constant 0 : i32
      %dma_start3A_255 = tpu.memref_slice %arg9[%dma_start3A_252, %dma_start3A_253, %dma_start3A_254] : memref<10x128x64xf32, #tpu.memory_space<vmem>> -> memref<1x128x64xf32, #tpu.memory_space<vmem>>
      %dma_start3A_256 = tpu.memref_squeeze %dma_start3A_255 : memref<1x128x64xf32, #tpu.memory_space<vmem>> -> memref<128x64xf32, #tpu.memory_space<vmem>>
      %dma_start3A_257 = arith.constant 0 : i32
      %dma_start3A_258 = tpu.memref_slice %arg8[%add3A_251, %dma_start3A_257] : memref<50x128xi32, #tpu.memory_space<vmem>> -> memref<1x128xi32, #tpu.memory_space<vmem>>
      %dma_start3A_259 = tpu.memref_squeeze %dma_start3A_258 : memref<1x128xi32, #tpu.memory_space<vmem>> -> memref<128xi32, #tpu.memory_space<vmem>>
      %dma_start3A_260 = arith.constant 0 : i32
      %dma_start3A_261 = arith.constant 0 : i32
      %dma_start3A_262 = tpu.memref_slice %arg4[%dma_start3A_260, %dma_start3A_261] : memref<1000001x64xf32, #tpu.memory_space<hbm>> -> memref<1000001x64xf32, #tpu.memory_space<hbm>>
      tpu.enqueue_indirect_dma source(%dma_start3A_262 : memref<1000001x64xf32, #tpu.memory_space<hbm>>) target(%dma_start3A_256 : memref<128x64xf32, #tpu.memory_space<vmem>>) offsets(%dma_start3A_259 : memref<128xi32, #tpu.memory_space<vmem>>) semaphore(%arg12 : memref<!tpu.dma_semaphore, #tpu.memory_space<semaphore_mem>>)
      %dma_wait3A_263 = arith.constant 9 : i32
      %dma_wait3A_264 = arith.constant 0 : i32
      %dma_wait3A_265 = arith.constant 0 : i32
      %dma_wait3A_266 = tpu.memref_slice %arg9[%dma_wait3A_263, %dma_wait3A_264, %dma_wait3A_265] : memref<10x128x64xf32, #tpu.memory_space<vmem>> -> memref<1x128x64xf32, #tpu.memory_space<vmem>>
      %dma_wait3A_267 = tpu.memref_squeeze %dma_wait3A_266 : memref<1x128x64xf32, #tpu.memory_space<vmem>> -> memref<128x64xf32, #tpu.memory_space<vmem>>
      %dma_wait3A_268 = arith.constant 0 : i32
      %dma_wait3A_269 = tpu.memref_slice %arg8[%add3A_251, %dma_wait3A_268] : memref<50x128xi32, #tpu.memory_space<vmem>> -> memref<1x128xi32, #tpu.memory_space<vmem>>
      %dma_wait3A_270 = tpu.memref_squeeze %dma_wait3A_269 : memref<1x128xi32, #tpu.memory_space<vmem>> -> memref<128xi32, #tpu.memory_space<vmem>>
      %dma_wait3A_271 = arith.constant 0 : i32
      %dma_wait3A_272 = arith.constant 0 : i32
      %dma_wait3A_273 = tpu.memref_slice %arg4[%dma_wait3A_271, %dma_wait3A_272] : memref<1000001x64xf32, #tpu.memory_space<hbm>> -> memref<1000001x64xf32, #tpu.memory_space<hbm>>
      tpu.wait_indirect_dma semaphore(%arg12 : memref<!tpu.dma_semaphore, #tpu.memory_space<semaphore_mem>>) src(%dma_wait3A_273 : memref<1000001x64xf32, #tpu.memory_space<hbm>>) dst(%dma_wait3A_267 : memref<128x64xf32, #tpu.memory_space<vmem>>)
      %mul3A_274 = arith.constant 50 : i32
      %mul3A_275 = arith.muli %add3A, %mul3A_274 : i32
      %mul3A_276 = arith.constant 10 : i32
      %mul3A_277 = arith.muli %scan3A_13, %mul3A_276 : i32
      %add3A_278 = arith.addi %mul3A_275, %mul3A_277 : i32
      "tpu.region"() ({
        %run_scoped3A = tpu.sem_alloc : memref<!tpu.dma_semaphore, #tpu.memory_space<semaphore_mem>>
        %dma_start3A_279 = arith.constant 0 : i32
        %dma_start3A_280 = arith.constant 0 : i32
        %dma_start3A_281 = tpu.memref_slice %arg6[%add3A_278, %dma_start3A_279, %dma_start3A_280] : memref<1600x128x64xf32, #tpu.memory_space<hbm>> -> memref<10x128x64xf32, #tpu.memory_space<hbm>>
        %dma_start3A_282 = arith.constant 0 : i32
        %dma_start3A_283 = arith.constant 0 : i32
        %dma_start3A_284 = tpu.memref_slice %arg6[%add3A_278, %dma_start3A_282, %dma_start3A_283] : memref<1600x128x64xf32, #tpu.memory_space<hbm>> -> memref<10x128x64xf32, #tpu.memory_space<hbm>>
        tpu.enqueue_dma source(%arg9 : memref<10x128x64xf32, #tpu.memory_space<vmem>>) target(%dma_start3A_284 : memref<10x128x64xf32, #tpu.memory_space<hbm>>) target_semaphore(%run_scoped3A : memref<!tpu.dma_semaphore, #tpu.memory_space<semaphore_mem>>)
        %dma_wait3A_285 = arith.constant 0 : i32
        %dma_wait3A_286 = arith.constant 0 : i32
        %dma_wait3A_287 = tpu.memref_slice %arg6[%add3A_278, %dma_wait3A_285, %dma_wait3A_286] : memref<1600x128x64xf32, #tpu.memory_space<hbm>> -> memref<10x128x64xf32, #tpu.memory_space<hbm>>
        %dma_wait3A_288 = arith.constant 0 : i32
        %dma_wait3A_289 = arith.constant 0 : i32
        %dma_wait3A_290 = tpu.memref_slice %arg6[%add3A_278, %dma_wait3A_288, %dma_wait3A_289] : memref<1600x128x64xf32, #tpu.memory_space<hbm>> -> memref<10x128x64xf32, #tpu.memory_space<hbm>>
        tpu.wait_dma2 semaphore(%run_scoped3A : memref<!tpu.dma_semaphore, #tpu.memory_space<semaphore_mem>>) src(%arg9 : memref<10x128x64xf32, #tpu.memory_space<vmem>>) dst(%dma_wait3A_290 : memref<10x128x64xf32, #tpu.memory_space<hbm>>)
        tpu.yield
      }) : () -> ()
    }
    %scan3A_12 = arith.constant 5 : i32
    return
  }
}

</mosaic_0001>

<sc_bundles>
// kernel: _sc_gather.3.cloned.1.call-start
scs
__scs_entry_jumppad:
0x0: {  	(pc) =	sbr.rel $0x88, $3  }
0x1: {  	(tag) =	ssettag $0x0;
	lr =	simm.s32 $0x1  }
0x2: {  	[smem:$0x3F9D] =	sst lr;
	_ =	strace $0xD0000000  }
0x3: {  	_ = 	snop  }
0x4: {  	_ = 	snop  }
0x5: {  	_ = 	snop  }
0x6: {  	_ = 	snop  }
0x7: {  	_ = 	snop  }
__scs_overlays_trampoline_lowered:
0x8: {  	[smem:$0x3FAC] =	sst s0  }
0x9: {  	[smem:$0x3FAD] =	sst s1  }
0xa: {  	[smem:$0x3FAE] =	sst s2  }
0xb: {  	[smem:$0x3FAF] =	sst s3  }
0xc: {  	[smem:$0x3FB0] =	sst s4  }
0xd: {  	[smem:$0x3FB1] =	sst s5  }
0xe: {  	[smem:$0x3FB2] =	sst s6  }
0xf: {  	[smem:$0x3FB3] =	sst s7  }
0x10: {  	[smem:$0x3FB4] =	sst s8  }
0x11: {  	[smem:$0x3FB5] =	sst s9;
	s0 =	simm.s32 @!p0 $0x0  }
0x12: {  	s1 =	sld [smem:$0x3F9B];
	s0 =	simm.s32 @p0 $0x1  }
0x13: {  	[smem:$0x3FB6] =	sst s0;
	s0 =	simm.s32 @!p1 $0x0  }
0x14: {  	s2 =	sld [smem:$0x3F9A];
	s0 =	simm.s32 @p1 $0x1  }
0x15: {  	[smem:$0x3FB7] =	sst s0;
	s0 =	simm.s32 @!p2 $0x0  }
0x16: {  	s3 =	sld [smem:$0x3FDB];
	s0 =	simm.s32 @p2 $0x1  }
0x17: {  	s4 =	simm.s32 $0x1BF5;
	[smem:$0x3FB9] =	sst s0  }
0x18: {  	s0 =	sld [smem:$0x3F9C];
	_ =	swait.ge [sflag:s4], $0x0  }
0x19: {  	s7 =	sld [smem:$0x3F9D]  }
0x1a: {  	s8 =	sadd.s32 $0xFFFFE003, lr  }
0x1b: {  	s9 =	sadd.s32 $0xFFFFFEF7, lr;
	s5 =	simm.s32 $0xFFFFFFFF;
	p2 =	slt.u32 s8, $0xFFFFF086  }
0x1c: {  	p1 =	slt.u32 s9, $0xF7A;
	s5 =	simm.s32 @!p2 $0x0  }
0x1d: {  	s5 =	simm.s32 @p1 $0x1;
	p0 =	seq.s32 s7, s2  }
0x1e: {  	s7 =	smul.u32 @!p0 $0xF7A, s2;
	p2 =	seq.s32 @!p0 s5, $0x0  }
0x1f: {  	s9 =	smul.u32 $0xF7A, s1;
	s8 =	simm.s32 @!p0 $0x1BF5;
	p2 =	por !p2, p0  }
0x20: {  	[sflag:s8] =	ssyncset.s32 @!p0 $0xFFFFF086;
	s6 =	sadd.s32 @!p0 s3, s7;
	s7 =	simm.s32 @!p0 $0x108  }
0x21: {  	s3 =	sadd.s32 s3, s9;
	s6 =	sadd.s32 @!p0 $0x88, s6;
	s7 =	simm.s32 @p2 $0x1082  }
0x22: {  	[simem:s7], [sflag:s8] =	dma.local @!p0 [hbm:s6], $0xF7A  }
0x23: {  	s9 =	sor.u32 $0xD0000000, s2;
	s6 =	simm.s32 $0x108;
	_ =	swait.ge @!p0 [sflag:s8], $0x0  }
0x24: {  	s3 =	sadd.s32 $0x88, s3;
	s6 =	simm.s32 @!p1 $0x1082;
	[sflag:s4] =	ssyncset.s32 $0xFFFFF086  }
0x25: {  	[simem:s6], [sflag:s4] =	dma.local [hbm:s3], $0xF7A  }
0x26: {  	[smem:$0x3F9D] =	sst s1;
	(tag) =	ssettag s2;
	_ =	strace s9  }
0x27: {  	s1 =	sld [smem:$0x3FAD]  }
0x28: {  	s2 =	sld [smem:$0x3FAE]  }
0x29: {  	s4 =	sld [smem:$0x3FB0]  }
0x2a: {  	p0 =	seq.s32 s5, $0x0;
	s5 =	sld [smem:$0x3FB1]  }
0x2b: {  	s6 =	sld [smem:$0x3FB2]  }
0x2c: {  	s7 =	sld [smem:$0x3FB3]  }
0x2d: {  	s3 =	simm.s32 $0x108;
	s8 =	sld [smem:$0x3FB4]  }
0x2e: {  	s3 =	simm.s32 @!p0 $0x1082;
	s9 =	sld [smem:$0x3FB5]  }
0x2f: {  	lr =	sadd.s32 s0, s3;
	s0 =	sld [smem:$0x3FAC]  }
0x30: {  	s3 =	sld [smem:$0x3FAF]  }
0x31: {  	[smem:$0x3FB8] =	sst s10  }
0x32: {  	s10 =	sld [smem:$0x3FB6];
	_ =	sdelay $0x3  }
0x33: {  	p0 =	seq.s32 s10, $0x1;
	s10 =	sld [smem:$0x3FB8];
	_ =	sdelay $0x3  }
0x34: {  	[smem:$0x3FB8] =	sst s10  }
0x35: {  	s10 =	sld [smem:$0x3FB7];
	_ =	sdelay $0x3  }
0x36: {  	p1 =	seq.s32 s10, $0x1;
	s10 =	sld [smem:$0x3FB8];
	_ =	sdelay $0x3  }
0x37: {  	[smem:$0x3FB8] =	sst s10  }
0x38: {  	s10 =	sld [smem:$0x3FB9]  }
0x39: {  	_ = 	snop;
	(pc) =	sbr.ind lr, $3  }
0x3a: {  	_ = 	snop  }
0x3b: {  	_ = 	snop  }
0x3c: {  	p2 =	seq.s32 s10, $0x1;
	s10 =	sld [smem:$0x3FB8]  }
0x3d: {  	_ =	shalt  }
0x3e: {  	_ =	shalt  }
0x3f: {  	_ =	shalt  }
0x40: {  	_ =	shalt  }
0x41: {  	_ =	shalt  }
0x42: {  	_ =	shalt  }
0x43: {  	_ =	shalt  }
0x44: {  	_ =	shalt  }
0x45: {  	_ =	shalt  }
0x46: {  	_ =	shalt  }
0x47: {  	_ =	shalt  }
0x48: {  	_ =	shalt  }
0x49: {  	_ =	shalt  }
0x4a: {  	_ =	shalt  }
0x4b: {  	_ =	shalt  }
0x4c: {  	_ =	shalt  }
0x4d: {  	_ =	shalt  }
0x4e: {  	_ =	shalt  }
0x4f: {  	_ =	shalt  }
0x50: {  	_ =	shalt  }
0x51: {  	_ =	shalt  }
0x52: {  	_ =	shalt  }
0x53: {  	_ =	shalt  }
0x54: {  	_ =	shalt  }
0x55: {  	_ =	shalt  }
0x56: {  	_ =	shalt  }
0x57: {  	_ =	shalt  }
0x58: {  	_ =	shalt  }
0x59: {  	_ =	shalt  }
0x5a: {  	_ =	shalt  }
0x5b: {  	_ =	shalt  }
0x5c: {  	_ =	shalt  }
0x5d: {  	_ =	shalt  }
0x5e: {  	_ =	shalt  }
0x5f: {  	_ =	shalt  }
0x60: {  	_ =	shalt  }
0x61: {  	_ =	shalt  }
0x62: {  	_ =	shalt  }
0x63: {  	_ =	shalt  }
0x64: {  	_ =	shalt  }
0x65: {  	_ =	shalt  }
0x66: {  	_ =	shalt  }
0x67: {  	_ =	shalt  }
0x68: {  	_ =	shalt  }
0x69: {  	_ =	shalt  }
0x6a: {  	_ =	shalt  }
0x6b: {  	_ =	shalt  }
0x6c: {  	_ =	shalt  }
0x6d: {  	_ =	shalt  }
0x6e: {  	_ =	shalt  }
0x6f: {  	_ =	shalt  }
0x70: {  	_ =	shalt  }
0x71: {  	_ =	shalt  }
0x72: {  	_ =	shalt  }
0x73: {  	_ =	shalt  }
0x74: {  	_ =	shalt  }
0x75: {  	_ =	shalt  }
0x76: {  	_ =	shalt  }
0x77: {  	_ =	shalt  }
0x78: {  	_ =	shalt  }
0x79: {  	_ =	shalt  }
0x7a: {  	_ =	shalt  }
0x7b: {  	_ =	shalt  }
0x7c: {  	_ =	shalt  }
0x7d: {  	_ =	shalt  }
0x7e: {  	_ =	shalt  }
0x7f: {  	_ =	shalt  }
0x80: {  	_ =	shalt  }
0x81: {  	_ =	shalt  }
0x82: {  	_ =	shalt  }
0x83: {  	_ =	shalt  }
0x84: {  	_ =	shalt  }
0x85: {  	_ =	shalt  }
0x86: {  	_ =	shalt  }
0x87: {  	_ =	shalt  }
.Lfunc_end0:
.L_simem_size_0:
called_computation.1_lowered:
.L_overlay_start_0:
0x88: {  	s2 =	sld [smem:$0x3FD9]  }
0x89: {  	s3 =	sld [smem:$0x3FFE];
	_ =	sdelay $0x1  }
0x8a: {  	s1 =	srdreg.scid  }
0x8b: {  	s0 =	sand.u32 $0x1, s1  }
0x8c: {  	s14 =	sshll.u32 s0, $0xA;
	s2 =	sadd.s32 s3, s2  }
0x8d: {  	s2 =	sadd.s32 s2, s14  }
0x8e: {  	[smem:$0x3FC4] =	sst s2  }
0x8f: {  	_ = 	snop  }
0x90: {  	s2 =	sld [smem:$0x3FD0];
	_ =	sdelay $0x2  }
0x91: {  	s4 =	simm.s32 $0xA;
	s5 =	simm.s32 $0x10;
	s15 =	sld [smem:$0x3FC8]  }
0x92: {  	[smem:s5], [sflag:s4] =	dma.local [hbm:s2], $0x1  }
0x93: {  	_ =	swait.eq [sflag:s4], $0x1  }
0x94: {  	[sflag:s4] =	ssyncset.done $0x0  }
0x95: {  	s16 =	sld [smem:$0x10];
	[sflag:s4] =	ssyncadd.s32 $0xFFFFFFFF  }
0x96: {  	s17 =	sld [smem:$0x11];
	(tm) =	ssettm $0x1  }
0x97: {  	s18 =	sld [smem:$0x3FFB];
	_ =	sdelay $0x3  }
0x98: {  	_ =	strace s18  }
0x99: {  	s5 =	sld [smem:$0x3FFC];
	_ =	sdelay $0x3  }
0x9a: {  	_ =	strace s5  }
0x9b: {  	s5 =	sld [smem:$0x3FFD];
	_ =	sdelay $0x3  }
0x9c: {  	_ =	strace s5  }
0x9d: {  	_ =	strace $0x8FFFFFFF  }
0x9e: {  	s19 =	sld [smem:$0x3FDB];
	_ =	sdelay $0x1  }
0x9f: {  	s6 =	simm.s32 $_scs_section_size  }
0xa0: {  	s7 =	simm.s32 $_size__tile_overlayer_lowered;
	s8 =	simm.s32 $_tile_overlayer_lowered  }
0xa1: {  	s22 =	simm.s32 $0x1BFF;
	s21 =	sshll.u32 s8, $0x1;
	s5 =	sadd.s32 s6, s19  }
0xa2: {  	s9 =	simm.s32 $0x0;
	s20 =	sshll.u32 s7, $0x1;
	s7 =	sadd.s32 s21, s5  }
0xa3: {  	[timem:s9], [sflag:s22] =	dma.local [hbm:s7], s20  }
0xa4: {  	_ =	swait.ge [sflag:s22], s20  }
0xa5: {  	s6 =	ssub.s32 $0x0, s20;
	[sflag:s22] =	ssyncset.done $0x0  }
0xa6: {  	[sflag:s22] =	ssyncadd.s32 s6;
	_ =	sdelay $0x1  }
0xa7: {  	s23 =	simm.s32 $0x1B8B  }
0xa8: {  	_ =	swait.ge [sflag:s23], $0x1  }
0xa9: {  	[sflag:s23] =	ssyncset.done $0x0  }
0xaa: {  	s25 =	simm.s32 $0x1B8E;
	s24 =	sld [smem:$0x3FFE];
	[sflag:s23] =	ssyncadd.s32 $0xFFFFFFFF  }
0xab: {  	s26 =	simm.s32 $execute0_lowered;
	[smem:$0x3FD2] =	sst s25  }
0xac: {  	s7 =	sshll.u32 s26, $0x1;
	_ =	strace $0x80000046;
	[dreg:$0x1] =	wrdreg $0xFFFFFFFF  }
0xad: {  	s28 =	simm.s32 $_size_execute0_lowered;
	s5 =	sadd.s32 s5, s7;
	[dreg:$0x0] =	wrdreg $0x0  }
0xae: {  	s7 =	sshll.u32 s28, $0x1;
	[dreg:$0x2] =	wrdreg s5  }
0xaf: {  	[dreg:$0x3] =	wrdreg s7  }
0xb0: {  	[dreg:$0x4] =	wrdreg $0xC0  }
0xb1: {  	_ =	task [dreg:s9], $0x5FFFF  }
0xb2: {  	[dreg:$0x1] =	wrdreg $0xFFFFFFFF  }
0xb3: {  	[dreg:$0x0] =	wrdreg $0x60  }
0xb4: {  	[dreg:$0x2] =	wrdreg s24  }
0xb5: {  	[dreg:$0x3] =	wrdreg s15  }
0xb6: {  	[dreg:$0x4] =	wrdreg s16  }
0xb7: {  	[dreg:$0x5] =	wrdreg s17  }
0xb8: {  	[dreg:$0x6] =	wrdreg $0x9  }
0xb9: {  	_ =	task.clear_ibuf [dreg:s9], $0x7FFFF;
	_ =	strace $0x90000046  }
0xba: {  	s29 =	simm.s32 $0x9;
	_ =	strace $0x80000048  }
0xbb: {  	_ =	swait.ge [sflag:s29], $0x1  }
0xbc: {  	[sflag:s29] =	ssyncadd.s32 $0xFFFFFFFF  }
0xbd: {  	_ =	strace $0x90000048  }
0xbe: {  	_ =	sfence  }
0xbf: {  	s30 =	sld [smem:$0x0];
	_ =	sdelay $0x2  }
0xc0: {  	s31 =	sshll.u32 s1, $0xD;
	s1 =	sshrl.u32 s1, $0x2  }
0xc1: {  	s3 =	sand.u32 $0x4000, s31;
	s1 =	sadd.s32 s1, s30  }
0xc2: {  	s0 =	sor.u32 s3, s0;
	s1 =	sshll.u32 s1, $0x11  }
0xc3: {  	s0 =	sor.u32 s1, s0  }
0xc4: {  	s0 =	sadd.s32 $0x8F2B, s0  }
0xc5: {  	[sflag:s0] =	ssyncadd.remote.s32 $0x1  }
0xc6: {  	_ =	sfence.sel $0xFFFF  }
0xc7: {  	[dreg:$0x0] =	wrdreg $0xFFFFFFFF;
	(pc) =	sbr.abs _section_cstart, $3  }
0xc8: {  	[dreg:$0x1] =	wrdreg $0xFFFFFFFF  }
0xc9: {  	_ =	task.clear_ibuf [dreg:s9], $0x2FFFF;
	_ =	strace $0x9FFFFFFF  }
0xca: {  	(tm) =	ssettm $0x7FFFFFFF  }
0xcb: {  	_ =	shalt  }
tec
execute0_lowered:
.L_overlay_start_1:
0x0: {  	(tag) =	ssettag $0x1  }
0x1: {  	s1 =	rddreg [dreg:$0x0]  }
0x2: {  	s5 =	rddreg [dreg:$0x1]  }
0x3: {  	s2 =	srdreg.scid;
	s9 =	rddreg [dreg:$0x2]  }
0x4: {  	s0 =	stileid.u32;
	s6 =	rddreg [dreg:$0x3];
	s13 =	simm.s32 $0x15920  }
0x5: {  	s14 =	simm.s32 $0x1;
	s15 =	simm.s32 $0x80;
	s16 =	simm.s32 $0x1900  }
0x6: {  	s17 =	simm.s32 $0x3900;
	s18 =	simm.s32 $0x5900;
	s19 =	simm.s32 $0x7900  }
0x7: {  	s20 =	simm.s32 $0x9900;
	s21 =	simm.s32 $0xB900;
	s22 =	simm.s32 $0xD900  }
0x8: {  	s23 =	simm.s32 $0xF900;
	s24 =	simm.s32 $0x11900;
	s7 =	sand.u32 $0x1, s2  }
0x9: {  	s25 =	sshll.u32 s0, $0x1;
	s2 =	simm.s32 $0x0;
	s4 =	sadd.s32 $0x1200, s1  }
0xa: {  	s29 =	smul.u32 $0x19000, s0;
	s8 =	sor.u32 s7, s25;
	[smem:$0x7FF] =	sst s2  }
0xb: {  	s10 =	ssub.s32 $0x2, s7;
	s30 =	smul.u32 $0xC800, s7;
	s25 =	simm.s32 $0x13900  }
0xc: {  	s3 =	smul.u32 $0x320, s8;
	_ =	strace $0x80000047;
	s12 =	sshrl.u32 s10, $0x1  }
0xd: {  	s28 =	sshll.u32 s8, $0x2;
	s8 =	sshll.u32 s8, $0x8;
	s31 =	sadd.s32 s29, s9  }
0xe: {  	s26 =	ssub.s32 s10, s12;
	s5 =	sadd.s32 s5, s28;
	s6 =	sadd.s32 s6, s8  }
0xf: {  	s9 =	sadd.s32 s30, s31;
	s10 =	simm.s32 $0x15900;
	s12 =	simm.s32 $0x20  }
0x10: {  	s11 =	sadd.s32 s3, s1;
	s3 =	sadd.s32 $0xF43800, s1;
	s8 =	smax.u32 s26, $0x1  }
0x11: {  	s26 =	simm.s32 $0x0;
	s7 =	sadd.s32 $0xC4800, s11;
	s11 =	simm.s32 $0x2  }
.LBB2_1:
0x12: {  	[tilespmem:s10], [sflag:$0x2] =	stream.linear.gather [hbm4b:s5+s2], $0x20, $0x38;
	[tilespmem:$0x16120] =	vst v63  }
0x13: {  	_ =	swait.ge [sflag:s11], $0x20  }
0x14: {  	[sflag:s11] =	ssyncset.done $0x0  }
0x15: {  	[sflag:s11] =	ssyncadd.s32 $0xFFFFFFE0  }
0x16: {  	[tilespmem:s13], [sflag:$0x1] =	stream.indirect.gather [hbm4b:s4+s12], $0x40, s10, s12, $0xb8;
	[tilespmem:$0x16120] =	vst v63  }
0x17: {  	_ =	swait.ge [sflag:s14], $0x800  }
0x18: {  	[sflag:s14] =	ssyncset.done $0x0  }
0x19: {  	[sflag:s14] =	ssyncadd.s32 $0xFFFFF800  }
0x1a: {  	[hbm4b:s6+s2] =	stream.linear.scatter [tilespmem:s13], [sflag:$0x2], $0x800, $0x38;
	[tilespmem:$0x16120] =	vst v63  }
0x1b: {  	_ =	swait.ge [sflag:s11], $0x800  }
0x1c: {  	[sflag:s11] =	ssyncset.done $0x0  }
0x1d: {  	[sflag:s11] =	ssyncadd.s32 $0xFFFFF800  }
0x1e: {  	[tilespmem:s2], [sflag:$0x2] =	stream.linear.gather [hbm4b:s7+s2], $0x1900, $0x38;
	[tilespmem:$0x16120] =	vst v63  }
0x1f: {  	_ =	swait.ge [sflag:s11], $0x1900  }
0x20: {  	[sflag:s11] =	ssyncset.done $0x0  }
0x21: {  	s1 =	simm.s32 $0x0;
	[sflag:s11] =	ssyncadd.s32 $0xFFFFE700  }
0x22: {  	[tilespmem:s16], [sflag:$0x1] =	stream.indirect.gather [hbm4b:s3+s15], $0x40, s1, s15, $0xb8;
	[tilespmem:$0x16120] =	vst v63  }
0x23: {  	_ =	swait.ge [sflag:s14], $0x2000  }
0x24: {  	[sflag:s14] =	ssyncset.done $0x0  }
0x25: {  	s31 =	simm.s32 $0x80;
	[sflag:s14] =	ssyncadd.s32 $0xFFFFE000  }
0x26: {  	[tilespmem:s17], [sflag:$0x1] =	stream.indirect.gather [hbm4b:s3+s15], $0x40, s31, s15, $0xb8;
	[tilespmem:$0x16120] =	vst v63  }
0x27: {  	_ =	swait.ge [sflag:s14], $0x2000  }
0x28: {  	[sflag:s14] =	ssyncset.done $0x0  }
0x29: {  	s31 =	simm.s32 $0x100;
	[sflag:s14] =	ssyncadd.s32 $0xFFFFE000  }
0x2a: {  	[tilespmem:s18], [sflag:$0x1] =	stream.indirect.gather [hbm4b:s3+s15], $0x40, s31, s15, $0xb8;
	[tilespmem:$0x16120] =	vst v63  }
0x2b: {  	_ =	swait.ge [sflag:s14], $0x2000  }
0x2c: {  	[sflag:s14] =	ssyncset.done $0x0  }
0x2d: {  	s31 =	simm.s32 $0x180;
	[sflag:s14] =	ssyncadd.s32 $0xFFFFE000  }
0x2e: {  	[tilespmem:s19], [sflag:$0x1] =	stream.indirect.gather [hbm4b:s3+s15], $0x40, s31, s15, $0xb8;
	[tilespmem:$0x16120] =	vst v63  }
0x2f: {  	_ =	swait.ge [sflag:s14], $0x2000  }
0x30: {  	[sflag:s14] =	ssyncset.done $0x0  }
0x31: {  	s31 =	simm.s32 $0x200;
	[sflag:s14] =	ssyncadd.s32 $0xFFFFE000  }
0x32: {  	[tilespmem:s20], [sflag:$0x1] =	stream.indirect.gather [hbm4b:s3+s15], $0x40, s31, s15, $0xb8;
	[tilespmem:$0x16120] =	vst v63  }
0x33: {  	_ =	swait.ge [sflag:s14], $0x2000  }
0x34: {  	[sflag:s14] =	ssyncset.done $0x0  }
0x35: {  	s31 =	simm.s32 $0x280;
	[sflag:s14] =	ssyncadd.s32 $0xFFFFE000  }
0x36: {  	[tilespmem:s21], [sflag:$0x1] =	stream.indirect.gather [hbm4b:s3+s15], $0x40, s31, s15, $0xb8;
	[tilespmem:$0x16120] =	vst v63  }
0x37: {  	_ =	swait.ge [sflag:s14], $0x2000  }
0x38: {  	[sflag:s14] =	ssyncset.done $0x0  }
0x39: {  	s31 =	simm.s32 $0x300;
	[sflag:s14] =	ssyncadd.s32 $0xFFFFE000  }
0x3a: {  	[tilespmem:s22], [sflag:$0x1] =	stream.indirect.gather [hbm4b:s3+s15], $0x40, s31, s15, $0xb8;
	[tilespmem:$0x16120] =	vst v63  }
0x3b: {  	_ =	swait.ge [sflag:s14], $0x2000  }
0x3c: {  	[sflag:s14] =	ssyncset.done $0x0  }
0x3d: {  	s31 =	simm.s32 $0x380;
	[sflag:s14] =	ssyncadd.s32 $0xFFFFE000  }
0x3e: {  	[tilespmem:s23], [sflag:$0x1] =	stream.indirect.gather [hbm4b:s3+s15], $0x40, s31, s15, $0xb8;
	[tilespmem:$0x16120] =	vst v63  }
0x3f: {  	_ =	swait.ge [sflag:s14], $0x2000  }
0x40: {  	[sflag:s14] =	ssyncset.done $0x0  }
0x41: {  	s31 =	simm.s32 $0x400;
	[sflag:s14] =	ssyncadd.s32 $0xFFFFE000  }
0x42: {  	[tilespmem:s24], [sflag:$0x1] =	stream.indirect.gather [hbm4b:s3+s15], $0x40, s31, s15, $0xb8;
	[tilespmem:$0x16120] =	vst v63  }
0x43: {  	_ =	swait.ge [sflag:s14], $0x2000  }
0x44: {  	[sflag:s14] =	ssyncset.done $0x0  }
0x45: {  	s31 =	simm.s32 $0x480;
	[sflag:s14] =	ssyncadd.s32 $0xFFFFE000  }
0x46: {  	[tilespmem:s25], [sflag:$0x1] =	stream.indirect.gather [hbm4b:s3+s15], $0x40, s31, s15, $0xb8;
	[tilespmem:$0x16120] =	vst v63  }
0x47: {  	_ =	swait.ge [sflag:s14], $0x2000  }
0x48: {  	[sflag:s14] =	ssyncset.done $0x0  }
0x49: {  	[sflag:s14] =	ssyncadd.s32 $0xFFFFE000  }
0x4a: {  	[hbm4b:s9+s2] =	stream.linear.scatter [tilespmem:s16], [sflag:$0x2], $0x14000, $0x38;
	[tilespmem:$0x16120] =	vst v63  }
0x4b: {  	s29 =	simm.s32 $0x1400;
	_ =	swait.ge [sflag:s11], $0x14000  }
0x4c: {  	s30 =	simm.s32 $0x2800;
	s28 =	sadd.s32 $0x2800, s9;
	[sflag:s11] =	ssyncset.done $0x0  }
.LBB2_2:
0x4d: {  	s31 =	sshra.s32 s29, $0x2  }
0x4e: {  	[sflag:s11] =	ssyncadd.s32 $0xFFFEC000;
	s29 =	smov.u32 s30;
	s1 =	sadd.s32 $0x1400, s30  }
0x4f: {  	[tilespmem:s16], [sflag:$0x1] =	stream.indirect.gather [hbm4b:s3+s15], $0x40, s31, s15, $0xb8;
	[tilespmem:$0x16120] =	vst v63  }
0x50: {  	p0 =	sne.s32 s30, $0x5000;
	_ =	swait.ge [sflag:s14], $0x2000  }
0x51: {  	[sflag:s14] =	ssyncset.done $0x0  }
0x52: {  	s30 =	sadd.s32 $0x80, s31;
	[sflag:s14] =	ssyncadd.s32 $0xFFFFE000  }
0x53: {  	[tilespmem:s17], [sflag:$0x1] =	stream.indirect.gather [hbm4b:s3+s15], $0x40, s30, s15, $0xb8;
	[tilespmem:$0x16120] =	vst v63  }
0x54: {  	_ =	swait.ge [sflag:s14], $0x2000  }
0x55: {  	[sflag:s14] =	ssyncset.done $0x0  }
0x56: {  	s30 =	sadd.s32 $0x100, s31;
	[sflag:s14] =	ssyncadd.s32 $0xFFFFE000  }
0x57: {  	[tilespmem:s18], [sflag:$0x1] =	stream.indirect.gather [hbm4b:s3+s15], $0x40, s30, s15, $0xb8;
	[tilespmem:$0x16120] =	vst v63  }
0x58: {  	_ =	swait.ge [sflag:s14], $0x2000  }
0x59: {  	[sflag:s14] =	ssyncset.done $0x0  }
0x5a: {  	s30 =	sadd.s32 $0x180, s31;
	[sflag:s14] =	ssyncadd.s32 $0xFFFFE000  }
0x5b: {  	[tilespmem:s19], [sflag:$0x1] =	stream.indirect.gather [hbm4b:s3+s15], $0x40, s30, s15, $0xb8;
	[tilespmem:$0x16120] =	vst v63  }
0x5c: {  	_ =	swait.ge [sflag:s14], $0x2000  }
0x5d: {  	[sflag:s14] =	ssyncset.done $0x0  }
0x5e: {  	s30 =	sadd.s32 $0x200, s31;
	[sflag:s14] =	ssyncadd.s32 $0xFFFFE000  }
0x5f: {  	[tilespmem:s20], [sflag:$0x1] =	stream.indirect.gather [hbm4b:s3+s15], $0x40, s30, s15, $0xb8;
	[tilespmem:$0x16120] =	vst v63  }
0x60: {  	_ =	swait.ge [sflag:s14], $0x2000  }
0x61: {  	[sflag:s14] =	ssyncset.done $0x0  }
0x62: {  	s30 =	sadd.s32 $0x280, s31;
	[sflag:s14] =	ssyncadd.s32 $0xFFFFE000  }
0x63: {  	[tilespmem:s21], [sflag:$0x1] =	stream.indirect.gather [hbm4b:s3+s15], $0x40, s30, s15, $0xb8;
	[tilespmem:$0x16120] =	vst v63  }
0x64: {  	_ =	swait.ge [sflag:s14], $0x2000  }
0x65: {  	[sflag:s14] =	ssyncset.done $0x0  }
0x66: {  	s30 =	sadd.s32 $0x300, s31;
	[sflag:s14] =	ssyncadd.s32 $0xFFFFE000  }
0x67: {  	[tilespmem:s22], [sflag:$0x1] =	stream.indirect.gather [hbm4b:s3+s15], $0x40, s30, s15, $0xb8;
	[tilespmem:$0x16120] =	vst v63  }
0x68: {  	_ =	swait.ge [sflag:s14], $0x2000  }
0x69: {  	[sflag:s14] =	ssyncset.done $0x0  }
0x6a: {  	s30 =	sadd.s32 $0x380, s31;
	[sflag:s14] =	ssyncadd.s32 $0xFFFFE000  }
0x6b: {  	[tilespmem:s23], [sflag:$0x1] =	stream.indirect.gather [hbm4b:s3+s15], $0x40, s30, s15, $0xb8;
	[tilespmem:$0x16120] =	vst v63  }
0x6c: {  	_ =	swait.ge [sflag:s14], $0x2000  }
0x6d: {  	[sflag:s14] =	ssyncset.done $0x0  }
0x6e: {  	s30 =	sadd.s32 $0x400, s31;
	[sflag:s14] =	ssyncadd.s32 $0xFFFFE000  }
0x6f: {  	[tilespmem:s24], [sflag:$0x1] =	stream.indirect.gather [hbm4b:s3+s15], $0x40, s30, s15, $0xb8;
	[tilespmem:$0x16120] =	vst v63  }
0x70: {  	_ =	swait.ge [sflag:s14], $0x2000  }
0x71: {  	[sflag:s14] =	ssyncset.done $0x0  }
0x72: {  	s30 =	sadd.s32 $0x480, s31;
	[sflag:s14] =	ssyncadd.s32 $0xFFFFE000  }
0x73: {  	[tilespmem:s25], [sflag:$0x1] =	stream.indirect.gather [hbm4b:s3+s15], $0x40, s30, s15, $0xb8;
	[tilespmem:$0x16120] =	vst v63  }
0x74: {  	_ =	swait.ge [sflag:s14], $0x2000  }
.Ltmp0:
0x75: {  	[sflag:s14] =	ssyncset.done $0x0;
	(pc) =	sbr.rel @p0 .LBB2_2-.Ltmp0, $4  }
0x76: {  	[sflag:s14] =	ssyncadd.s32 $0xFFFFE000  }
0x77: {  	[hbm4b:s28+s2] =	stream.linear.scatter [tilespmem:s16], [sflag:$0x2], $0x14000, $0x38;
	[tilespmem:$0x16120] =	vst v63  }
0x78: {  	_ =	swait.ge [sflag:s11], $0x14000  }
0x79: {  	s30 =	smov.u32 s1;
	s28 =	sadd.s32 $0x2800, s28;
	[sflag:s11] =	ssyncset.done $0x0  }
0x7a: {  	s1 =	sshra.s32 s29, $0x2;
	[sflag:s11] =	ssyncadd.s32 $0xFFFEC000  }
0x7b: {  	[tilespmem:s16], [sflag:$0x1] =	stream.indirect.gather [hbm4b:s3+s15], $0x40, s1, s15, $0xb8;
	[tilespmem:$0x16120] =	vst v63  }
0x7c: {  	_ =	swait.ge [sflag:s14], $0x2000  }
0x7d: {  	[sflag:s14] =	ssyncset.done $0x0  }
0x7e: {  	s29 =	sadd.s32 $0x80, s1;
	[sflag:s14] =	ssyncadd.s32 $0xFFFFE000  }
0x7f: {  	[tilespmem:s17], [sflag:$0x1] =	stream.indirect.gather [hbm4b:s3+s15], $0x40, s29, s15, $0xb8;
	[tilespmem:$0x16120] =	vst v63  }
0x80: {  	_ =	swait.ge [sflag:s14], $0x2000  }
0x81: {  	[sflag:s14] =	ssyncset.done $0x0  }
0x82: {  	s31 =	sadd.s32 $0x100, s1;
	[sflag:s14] =	ssyncadd.s32 $0xFFFFE000  }
0x83: {  	[tilespmem:s18], [sflag:$0x1] =	stream.indirect.gather [hbm4b:s3+s15], $0x40, s31, s15, $0xb8;
	[tilespmem:$0x16120] =	vst v63  }
0x84: {  	_ =	swait.ge [sflag:s14], $0x2000  }
0x85: {  	[sflag:s14] =	ssyncset.done $0x0  }
0x86: {  	s30 =	sadd.s32 $0x180, s1;
	[sflag:s14] =	ssyncadd.s32 $0xFFFFE000  }
0x87: {  	[tilespmem:s19], [sflag:$0x1] =	stream.indirect.gather [hbm4b:s3+s15], $0x40, s30, s15, $0xb8;
	[tilespmem:$0x16120] =	vst v63  }
0x88: {  	_ =	swait.ge [sflag:s14], $0x2000  }
0x89: {  	[sflag:s14] =	ssyncset.done $0x0  }
0x8a: {  	s31 =	sadd.s32 $0x200, s1;
	[sflag:s14] =	ssyncadd.s32 $0xFFFFE000  }
0x8b: {  	[tilespmem:s20], [sflag:$0x1] =	stream.indirect.gather [hbm4b:s3+s15], $0x40, s31, s15, $0xb8;
	[tilespmem:$0x16120] =	vst v63  }
0x8c: {  	_ =	swait.ge [sflag:s14], $0x2000  }
0x8d: {  	[sflag:s14] =	ssyncset.done $0x0  }
0x8e: {  	s30 =	sadd.s32 $0x280, s1;
	[sflag:s14] =	ssyncadd.s32 $0xFFFFE000  }
0x8f: {  	[tilespmem:s21], [sflag:$0x1] =	stream.indirect.gather [hbm4b:s3+s15], $0x40, s30, s15, $0xb8;
	[tilespmem:$0x16120] =	vst v63  }
0x90: {  	_ =	swait.ge [sflag:s14], $0x2000  }
0x91: {  	[sflag:s14] =	ssyncset.done $0x0  }
0x92: {  	s31 =	sadd.s32 $0x300, s1;
	[sflag:s14] =	ssyncadd.s32 $0xFFFFE000  }
0x93: {  	[tilespmem:s22], [sflag:$0x1] =	stream.indirect.gather [hbm4b:s3+s15], $0x40, s31, s15, $0xb8;
	[tilespmem:$0x16120] =	vst v63  }
0x94: {  	_ =	swait.ge [sflag:s14], $0x2000  }
0x95: {  	[sflag:s14] =	ssyncset.done $0x0  }
0x96: {  	s30 =	sadd.s32 $0x380, s1;
	[sflag:s14] =	ssyncadd.s32 $0xFFFFE000  }
0x97: {  	[tilespmem:s23], [sflag:$0x1] =	stream.indirect.gather [hbm4b:s3+s15], $0x40, s30, s15, $0xb8;
	[tilespmem:$0x16120] =	vst v63  }
0x98: {  	_ =	swait.ge [sflag:s14], $0x2000  }
0x99: {  	[sflag:s14] =	ssyncset.done $0x0  }
0x9a: {  	s31 =	sadd.s32 $0x400, s1;
	[sflag:s14] =	ssyncadd.s32 $0xFFFFE000  }
0x9b: {  	[tilespmem:s24], [sflag:$0x1] =	stream.indirect.gather [hbm4b:s3+s15], $0x40, s31, s15, $0xb8;
	[tilespmem:$0x16120] =	vst v63  }
0x9c: {  	_ =	swait.ge [sflag:s14], $0x2000  }
0x9d: {  	[sflag:s14] =	ssyncset.done $0x0  }
0x9e: {  	s1 =	sadd.s32 $0x480, s1;
	[sflag:s14] =	ssyncadd.s32 $0xFFFFE000  }
0x9f: {  	[tilespmem:s25], [sflag:$0x1] =	stream.indirect.gather [hbm4b:s3+s15], $0x40, s1, s15, $0xb8;
	[tilespmem:$0x16120] =	vst v63  }
0xa0: {  	s26 =	sadd.s32 $0x1, s26;
	_ =	swait.ge [sflag:s14], $0x2000  }
0xa1: {  	p0 =	sne.s32 s26, s8;
	[sflag:s14] =	ssyncset.done $0x0  }
.Ltmp1:
0xa2: {  	[sflag:s14] =	ssyncadd.s32 $0xFFFFE000;
	(pc) =	sbr.rel @p0 .LBB2_1-.Ltmp1, $4  }
0xa3: {  	[hbm4b:s28+s2] =	stream.linear.scatter [tilespmem:s16], [sflag:$0x2], $0x14000, $0x38;
	[tilespmem:$0x16120] =	vst v63  }
0xa4: {  	_ =	swait.ge [sflag:s11], $0x14000  }
0xa5: {  	[sflag:s11] =	ssyncset.done $0x0  }
0xa6: {  	[sflag:s11] =	ssyncadd.s32 $0xFFFEC000  }
0xa7: {  	_ =	sfence.sel $0x180000  }
0xa8: {  	[bflag:$0x0] =	sbarrier.arrive $0xFFFF  }
0xa9: {  	_ =	strace $0x90000047  }
0xaa: {  	[bflag:$0x2] =	sbarrier.arrive $0xFFFF  }
0xab: {  	p0 =	sne.s32 s0, $0x0;
	s0 =	rddreg [dreg:$0x4]  }
0xac: {  	s0 =	sadd.s32 @!p0 $0x100000, s0  }
0xad: {  	[sflag:s0] =	ssyncadd.tile.s32 @!p0 $0x1;
	_ =	shalt  }
.Lfunc_end2:
_tile_overlayer_lowered:
.L_overlay_start_2:
0xae: {  	(tag) =	ssettag $0x2  }
0xaf: {  	s0 =	rddreg [dreg:$0x0];
	s2 =	stileid.u32  }
0xb0: {  	s1 =	rddreg [dreg:$0x1];
	p0 =	sne.s32 s2, $0x0  }
0xb1: {  	s3 =	rddreg [dreg:$0x2];
	[bflag:$0x3] =	sbarrier.arrive $0xFFFF;
	s2 =	simm.s32 @!p0 $0x1C02  }
0xb2: {  	[timem:s3], [sflag:s2] =	dma.local @!p0 [hbm:s0], s1  }
0xb3: {  	s0 =	simm.s32 @!p0 $0x2  }
0xb4: {  	_ =	swait.ge @!p0 [sflag:s0], s1  }
0xb5: {  	s1 =	ssub.s32 @!p0 $0x0, s1;
	[sflag:s0] =	ssyncset.done @!p0 $0x0  }
0xb6: {  	[sflag:s0] =	ssyncadd.s32 @!p0 s1  }
0xb7: {  	[bflag:$0x3] =	sbarrier.arrive $0xFFFF  }
0xb8: {  	_ =	shalt  }

// kernel: sparse-core-data-format-call.cloned.1.call-start
scs
called_computation_lowered:
.L_overlay_start_0:
0x0: {  	s2 =	sld [smem:$0x3FD9]  }
0x1: {  	s3 =	sld [smem:$0x3FFE];
	_ =	sdelay $0x1  }
0x2: {  	s1 =	srdreg.scid  }
0x3: {  	s0 =	sand.u32 $0x1, s1  }
0x4: {  	s15 =	sshll.u32 s0, $0xA;
	s2 =	sadd.s32 s3, s2  }
0x5: {  	s2 =	sadd.s32 s2, s15  }
0x6: {  	[smem:$0x3FC4] =	sst s2  }
0x7: {  	_ = 	snop  }
0x8: {  	s2 =	sld [smem:$0x3FD0];
	_ =	sdelay $0x2  }
0x9: {  	s16 =	simm.s32 $0xA;
	s4 =	simm.s32 $0x10  }
0xa: {  	[smem:s4], [sflag:s16] =	dma.local [hbm:s2], $0x1  }
0xb: {  	_ =	swait.eq [sflag:s16], $0x1  }
0xc: {  	[sflag:s16] =	ssyncset.done $0x0  }
0xd: {  	[sflag:s16] =	ssyncadd.s32 $0xFFFFFFFF  }
0xe: {  	s17 =	sld [smem:$0x10];
	(tm) =	ssettm $0x1  }
0xf: {  	s18 =	sld [smem:$0x3FFB];
	_ =	sdelay $0x3  }
0x10: {  	_ =	strace s18  }
0x11: {  	s3 =	sld [smem:$0x3FFC];
	_ =	sdelay $0x3  }
0x12: {  	_ =	strace s3  }
0x13: {  	s3 =	sld [smem:$0x3FFD];
	_ =	sdelay $0x3  }
0x14: {  	_ =	strace s3  }
0x15: {  	_ =	strace $0x8FFFFFFF  }
0x16: {  	s19 =	sld [smem:$0x3FDB];
	_ =	sdelay $0x1  }
0x17: {  	s20 =	simm.s32 $_scs_section_size  }
0x18: {  	s5 =	simm.s32 $_size__tile_overlayer_lowered;
	s6 =	simm.s32 $_tile_overlayer_lowered  }
0x19: {  	s23 =	simm.s32 $0x1BFF;
	s22 =	sshll.u32 s6, $0x1;
	s3 =	sadd.s32 s20, s19  }
0x1a: {  	s7 =	simm.s32 $0x0;
	s21 =	sshll.u32 s5, $0x1;
	s5 =	sadd.s32 s22, s3  }
0x1b: {  	[timem:s7], [sflag:s23] =	dma.local [hbm:s5], s21  }
0x1c: {  	_ =	swait.ge [sflag:s23], s21  }
0x1d: {  	s4 =	ssub.s32 $0x0, s21;
	[sflag:s23] =	ssyncset.done $0x0  }
0x1e: {  	[sflag:s23] =	ssyncadd.s32 s4;
	_ =	sdelay $0x1  }
0x1f: {  	s24 =	simm.s32 $0x1B8B  }
0x20: {  	_ =	swait.ge [sflag:s24], $0x1  }
0x21: {  	[sflag:s24] =	ssyncset.done $0x0  }
0x22: {  	s26 =	simm.s32 $0x1B8E;
	s25 =	sld [smem:$0x3FFE];
	[sflag:s24] =	ssyncadd.s32 $0xFFFFFFFF  }
0x23: {  	s27 =	simm.s32 $execute0_lowered;
	[smem:$0x3FD2] =	sst s26  }
0x24: {  	s5 =	sshll.u32 s27, $0x1;
	_ =	strace $0x80000049;
	[dreg:$0x1] =	wrdreg $0xFFFFFFFF  }
0x25: {  	s28 =	simm.s32 $_size_execute0_lowered;
	s3 =	sadd.s32 s3, s5;
	[dreg:$0x0] =	wrdreg $0x0  }
0x26: {  	s5 =	sshll.u32 s28, $0x1;
	[dreg:$0x2] =	wrdreg s3  }
0x27: {  	[dreg:$0x3] =	wrdreg s5  }
0x28: {  	[dreg:$0x4] =	wrdreg $0xC0  }
0x29: {  	_ =	task [dreg:s7], $0x5FFFF  }
0x2a: {  	[dreg:$0x1] =	wrdreg $0xFFFFFFFF  }
0x2b: {  	[dreg:$0x0] =	wrdreg $0x60  }
0x2c: {  	[dreg:$0x2] =	wrdreg s25  }
0x2d: {  	[dreg:$0x3] =	wrdreg s17  }
0x2e: {  	[dreg:$0x4] =	wrdreg $0x9  }
0x2f: {  	_ =	task.clear_ibuf [dreg:s7], $0x5FFFF;
	_ =	strace $0x90000049  }
0x30: {  	s29 =	simm.s32 $0x9;
	_ =	strace $0x8000004B  }
0x31: {  	_ =	swait.ge [sflag:s29], $0x1  }
0x32: {  	[sflag:s29] =	ssyncadd.s32 $0xFFFFFFFF  }
0x33: {  	_ =	strace $0x9000004B  }
0x34: {  	_ =	sfence  }
0x35: {  	s30 =	sld [smem:$0x0];
	_ =	sdelay $0x2  }
0x36: {  	s31 =	sshll.u32 s1, $0xD;
	s1 =	sshrl.u32 s1, $0x2  }
0x37: {  	s3 =	sand.u32 $0x4000, s31;
	s1 =	sadd.s32 s1, s30  }
0x38: {  	s0 =	sor.u32 s3, s0;
	s1 =	sshll.u32 s1, $0x11  }
0x39: {  	s0 =	sor.u32 s1, s0  }
0x3a: {  	s0 =	sadd.s32 $0x8F2B, s0  }
0x3b: {  	[sflag:s0] =	ssyncadd.remote.s32 $0x1  }
0x3c: {  	_ =	sfence.sel $0xFFFF  }
0x3d: {  	[dreg:$0x0] =	wrdreg $0xFFFFFFFF;
	(pc) =	sbr.abs _section_cstart, $3  }
0x3e: {  	[dreg:$0x1] =	wrdreg $0xFFFFFFFF  }
0x3f: {  	_ =	task.clear_ibuf [dreg:s7], $0x2FFFF;
	_ =	strace $0x9FFFFFFF  }
0x40: {  	(tm) =	ssettm $0x7FFFFFFF  }
0x41: {  	_ =	shalt  }
tec
execute0_lowered:
.L_overlay_start_1:
0x0: {  	(tag) =	ssettag $0x1  }
0x1: {  	s0 =	srdreg.scid  }
0x2: {  	s1 =	sshll.u32 s0, $0x4  }
0x3: {  	s4 =	rddreg [dreg:$0x0];
	s0 =	stileid.u32;
	s1 =	sand.u32 $0x10, s1  }
0x4: {  	s2 =	rddreg [dreg:$0x1];
	s7 =	simm.s32 $0x1;
	s1 =	sor.u32 s0, s1  }
0x5: {  	s8 =	simm.s32 $0x2;
	s11 =	simm.s32 $0x0;
	s3 =	sshll.u32 s1, $0x1  }
0x6: {  	s10 =	simm.s32 $0x0;
	s4 =	sadd.s32 $0x1200, s4;
	s6 =	ssub.s32 $0x640, s3  }
.Ltmp0:
0x7: {  	s1 =	rddreg [dreg:$0x2];
	s5 =	sand.u32 $0x3E, s6;
	(pc) =	sbr.rel .LBB1_1-.Ltmp0, $4  }
0x8: {  	_ =	strace $0x8000004A;
	s9 =	smov.u32 s3;
	p0 =	sne.s32 s5, $0x0  }
0x9: {  	s6 =	sshrl.u32 s6, $0x6;
	s5 =	simm.s32 $0x1;
	s7 =	simm.s32 @!p0 $0x0  }
0xa: {  	[sflag:s5] =	ssyncpa.u1 $0x0;
	p0 =	por $0x0, $0x0;
	s6 =	sadd.s32 s7, s6  }
0xb: {  	[sflag:s8] =	ssyncpa.u1 $0x0;
	s8 =	simm.s32 $0x0;
	s7 =	sadd.s32 $0x1, s6  }
.LBB1_7:
0xc: {  	s13 =	sadd.s32 $0x40, s9  }
0xd: {  	p2 =	sgt.s32 s13, $0x63F  }
0xe: {  	s13 =	smov.u32 @p2 s3;
	p2 =	sne.s32 s10, s7  }
.Ltmp1:
0xf: {  	p1 =	slt.u32 s10, $0x2;
	(pc) =	sbr.rel @!p2 .LBB1_8-.Ltmp1, $4  }
0x10: {  	s12 =	simm.s32 @!p1 $0x2  }
0x11: {  	s14 =	sadd.s32 $0x1, s10;
	_ =	swait.ge @!p1 [sflag:s12], $0x4000  }
0x12: {  	s11 =	smov.u32 s9;
	p0 =	por !p0, !p0;
	[sflag:s12] =	ssyncset.done @!p1 $0x0  }
0x13: {  	s10 =	smov.u32 s14;
	s9 =	smov.u32 s13;
	[sflag:s12] =	ssyncadd.s32 @!p1 $0xFFFFC000  }
.LBB1_1:
0x14: {  	p1 =	sge.u32 s10, s6  }
0x15: {  	s31 =	sadd.s32 $0xFFFFFFFF, s10;
	s12 =	sxor.u32 @!p1 $0xFFFFFFFF, s10  }
0x16: {  	s13 =	sshll.u32 @!p1 s9, $0xB;
	s14 =	simm.s32 @!p1 $0x40;
	s12 =	sshll.u32 @!p1 s12, $0xE  }
0x17: {  	s15 =	simm.s32 @!p1 $0x80;
	s13 =	sadd.s32 @!p1 s4, s13;
	s12 =	sand.u32 @!p1 $0x4000, s12  }
0x18: {  	[tilespmem:s12], [sflag:$0x1] =	stream.strided.gather @!p1 [hbm4b:s13+s14], $0x4000, s15, s14, $0x38;
	[tilespmem:$0x10100] =	vst v63  }
0x19: {  	p1 =	sge.u32 s31, s6  }
.Ltmp2:
0x1a: {  	_ = 	snop;
	(pc) =	sbr.rel @p1 .LBB1_7-.Ltmp2, $1  }
0x1b: {  	_ =	sdelay $0x3  }
0x1c: {  	s12 =	simm.s32 $0x1;
	s14 =	sand.u32 $0x1, s10  }
0x1d: {  	_ =	swait.ge [sflag:s5], $0x4000;
	s12 =	simm.s32 @!p0 $0x0;
	s14 =	smul.u32 $0x10200, s14  }
0x1e: {  	p2 =	por $0x1, $0x1;
	[sflag:s5] =	ssyncset.done $0x0;
	s13 =	smul.u32 $0x10200, s12  }
0x1f: {  	s15 =	sshll.u32 s12, $0x10;
	[sflag:s5] =	ssyncadd.s32 $0xFFFFC000;
	s30 =	sshrl.u32 s14, $0x2  }
0x20: {  	s31 =	sshrl.u32 s15, $0x2;
	s15 =	simm.s32 $0x0;
	s13 =	sshrl.u32 s13, $0x2  }
0x21: {  	s12 =	sor.u32 $0x8000, s30;
	s14 =	sadd.s32 $0x20, s31;
	s13 =	sor.u32 $0x8000, s13  }
.LBB1_3:
0x22: {  	s16 =	sshll.u32 s15, $0xD  }
0x23: {  	s16 =	sand.u32 $0x3FFFE000, s16  }
0x24: {  	s18 =	sadd.s32 s16, s14  }
0x25: {  	s31 =	smul.u32 $0x8100, s15;
	v3 =	vld [tilespmem:s18+$0x10]  }
0x26: {  	v1 =	vld [tilespmem:s18+$0xFFFFFFF0]  }
0x27: {  	s15 =	sshra.s32 s31, $0x2;
	v0 =	vld [tilespmem:s18+$0x0]  }
0x28: {  	s15 =	sadd.s32 s15, s13;
	v2 =	vld [tilespmem:s18+$0xFFFFFFE0]  }
0x29: {  	s16 =	sadd.s32 $0x0, s15  }
0x2a: {  	p1 =	por p2, p2;
	s17 =	simm.s32 $0x4;
	s18 =	sadd.s32 $0x40, s18;
	[tilespmem:s16+$0x1830 ss:$0x81] =	vst.msk $0xffff, v3  }
.LBB1_4:
0x2b: {  	v3 =	vld [tilespmem:s18+$0x10];
	p2 =	sne.s32 s17, $0x1FC;
	[tilespmem:s16+$0x810 ss:$0x81] =	vst.msk $0xffff, v1;
	s19 =	smov.u32 s17;
	s17 =	sadd.s32 $0x4, s17  }
.Ltmp3:
0x2c: {  	v1 =	vld [tilespmem:s18+$0xFFFFFFF0];
	[tilespmem:s16+$0x1020 ss:$0x81] =	vst.msk $0xffff, v0;
	(pc) =	sbr.rel @p2 .LBB1_4-.Ltmp3, $4  }
0x2d: {  	v0 =	vld [tilespmem:s18+$0x0];
	[tilespmem:s16+$0x0 ss:$0x81] =	vst.msk $0xffff, v2  }
0x2e: {  	s16 =	sshra.s32 s19, $0x2;
	v2 =	vld [tilespmem:s18+$0xFFFFFFE0]  }
0x2f: {  	s16 =	sadd.s32 s16, s15  }
0x30: {  	s18 =	sadd.s32 $0x40, s18;
	[tilespmem:s16+$0x1830 ss:$0x81] =	vst.msk $0xffff, v3  }
.Ltmp4:
0x31: {  	(pc) =	sbr.rel @p1 .LBB1_3-.Ltmp4, $4  }
0x32: {  	_ = 	snop  }
0x33: {  	[tilespmem:s16+$0x810 ss:$0x81] =	vst.msk $0xffff, v1  }
0x34: {  	[tilespmem:s16+$0x1020 ss:$0x81] =	vst.msk $0xffff, v0  }
0x35: {  	s15 =	simm.s32 $0x1;
	p2 =	por $0x0, $0x0;
	[tilespmem:s16+$0x0 ss:$0x81] =	vst.msk $0xffff, v2  }
.Ltmp5:
0x36: {  	(pc) =	sbr.rel .LBB1_7-.Ltmp5, $4  }
0x37: {  	_ = 	snop  }
0x38: {  	s11 =	sshll.u32 s11, $0xA  }
0x39: {  	s11 =	sadd.s32 s2, s11  }
0x3a: {  	[hbm4b:s11+s8] =	stream.linear.scatter [tilespmem:s12], [sflag:$0x2], $0x4000, $0x20;
	[tilespmem:$0x10100] =	vst v63  }
.LBB1_8:
0x3b: {  	_ =	sfence.sel $0x180000  }
0x3c: {  	s2 =	simm.s32 $0x1;
	[bflag:$0x0] =	sbarrier.arrive $0xFFFF  }
0x3d: {  	s31 =	simm.s32 $0x2;
	[sflag:s2] =	ssyncpa.u1 $0x1  }
0x3e: {  	[sflag:s31] =	ssyncpa.u1 $0x1  }
0x3f: {  	p0 =	sne.s32 s0, $0x0;
	_ =	strace $0x9000004A  }
0x40: {  	s0 =	sadd.s32 @!p0 $0x100000, s1;
	[bflag:$0x2] =	sbarrier.arrive $0xFFFF  }
0x41: {  	[sflag:s0] =	ssyncadd.tile.s32 @!p0 $0x1;
	_ =	shalt  }
.Lfunc_end1:
_tile_overlayer_lowered:
.L_overlay_start_2:
0x42: {  	(tag) =	ssettag $0x2  }
0x43: {  	s0 =	rddreg [dreg:$0x0];
	s2 =	stileid.u32  }
0x44: {  	s1 =	rddreg [dreg:$0x1];
	p0 =	sne.s32 s2, $0x0  }
0x45: {  	s3 =	rddreg [dreg:$0x2];
	[bflag:$0x3] =	sbarrier.arrive $0xFFFF;
	s2 =	simm.s32 @!p0 $0x1C01  }
0x46: {  	[timem:s3], [sflag:s2] =	dma.local @!p0 [hbm:s0], s1  }
0x47: {  	s0 =	simm.s32 @!p0 $0x1  }
0x48: {  	_ =	swait.ge @!p0 [sflag:s0], s1  }
0x49: {  	s1 =	ssub.s32 @!p0 $0x0, s1;
	[sflag:s0] =	ssyncset.done @!p0 $0x0  }
0x4a: {  	[sflag:s0] =	ssyncadd.s32 @!p0 s1  }
0x4b: {  	[bflag:$0x3] =	sbarrier.arrive $0xFFFF  }
0x4c: {  	_ =	shalt  }

</sc_bundles>
